<compile_context>
chip_gen: v7x
topology: tpu7x:2x2x1
jax: 0.10.2.dev20260603
libtpu: 0.0.44.dev20260713+nightly
codegen_flags: <defaults>
</compile_context>

<pallas_src>
import functools

import jax
import jax.numpy as jnp
from jax import lax
from jax.experimental import pallas as pl
from jax.experimental.pallas import tpu as pltpu
from jax.experimental.pallas import tpu_sc as plsc

N = 10000
E = 320000
D = 128

NW = 32
EPW = E // NW
C = 200
NCHUNK = EPW // C


def _tc_body(x_ref, sh_ref, w_ref, b_ref, wa1_ref, wa2_ref, ba_ref,
             h_ref, s1_ref, s2_ref):
    xv = x_ref[...]
    h = lax.dot_general(xv, w_ref[...], (((1,), (1,)), ((), ())),
                        preferred_element_type=jnp.float32) + b_ref[...]
    h_ref[...] = h
    s1_ref[...] = lax.dot_general(wa1_ref[...], h, (((1,), (1,)), ((), ())),
                                  preferred_element_type=jnp.float32) + ba_ref[...]
    s2_ref[...] = lax.dot_general(wa2_ref[...], sh_ref[...],
                                  (((1,), (1,)), ((), ())),
                                  preferred_element_type=jnp.float32)


def _sc_body(h_hbm, s1_hbm, s2_hbm, ei_hbm,
             z1_hbm, e_hbm,
             src_v, dst_v, s1_v, s2_v, e_v, rows0, rows1, rows2,
             semg0, semg1, semg2, semw0, semw1, semw2, sems):
    wid = lax.axis_index("s") * 2 + lax.axis_index("c")
    base = wid * EPW

    pltpu.sync_copy(ei_hbm.at[0, wid], src_v)

    bufs = (rows0, rows1, rows2)
    gsems = (semg0, semg1, semg2)
    wsems = (semw0, semw1, semw2)

    def sg(c, b):
        pltpu.async_copy(h_hbm.at[src_v.at[pl.ds(c * C, C)]], bufs[b], gsems[b])

    def wg(b):
        pltpu.make_async_copy(z1_hbm.at[pl.ds(0, C)], bufs[b], gsems[b]).wait()

    def sw(c, b):
        pltpu.async_copy(bufs[b], z1_hbm.at[pl.ds(base + c * C, C)], wsems[b])

    def ww(b):
        pltpu.make_async_copy(bufs[b], z1_hbm.at[pl.ds(0, C)], wsems[b]).wait()

    sg(0, 0)
    sg(1, 1)
    sg(2, 2)

    cpd = pltpu.async_copy(ei_hbm.at[1, wid], dst_v, sems)
    cp1 = pltpu.async_copy(s1_hbm.at[0], s1_v, sems)
    cp2 = pltpu.async_copy(s2_hbm.at[0], s2_v, sems)

    def sbody(i, _):
        idx_s = src_v[pl.ds(i * 16, 16)]
        idx_d = dst_v[pl.ds(i * 16, 16)]
        a = plsc.load_gather(s1_v, [idx_s]) + plsc.load_gather(s2_v, [idx_d])
        e_v[pl.ds(i * 16, 16)] = jnp.maximum(a, 0.01 * a)
        return 0

    wg(0); sw(0, 0)
    wg(1); sw(1, 1); ww(0); sg(3, 0)
    cpd.wait()
    cp1.wait()
    cp2.wait()

    Q = (NCHUNK - 4) // 3
    SPG = (EPW // 16) // Q

    def gbody(q, _):
        for j in range(3):
            c = 3 * q + 2 + j
            b = (2 + j) % 3
            nb = (b + 2) % 3
            wg(b)
            sw(c, b)
            ww(nb)
            sg(c + 2, nb)
        lax.fori_loop(0, SPG, lambda k, _: sbody(q * SPG + k, _), 0, unroll=4)
        return 0

    lax.fori_loop(0, Q, gbody, 0)
    lax.fori_loop(Q * SPG, EPW // 16, sbody, 0, unroll=2)
    pltpu.sync_copy(e_v, e_hbm.at[pl.ds(base, EPW)])

    for c in range(3 * Q + 2, NCHUNK):
        b = c % 3
        wg(b)
        sw(c, b)
        if c + 2 < NCHUNK:
            ww((b + 2) % 3)
            sg(c + 2, (b + 2) % 3)
    ww(0)
    ww(1)
    ww(2)


@jax.jit
def kernel(x, self_h, edge_index, W, b, Wa, ba):
    wa1 = Wa[:, :D]
    wa2 = Wa[:, D:]
    h, s1, s2 = pl.pallas_call(
        _tc_body,
        out_shape=[
            jax.ShapeDtypeStruct((N, D), jnp.float32),
            jax.ShapeDtypeStruct((1, N), jnp.float32),
            jax.ShapeDtypeStruct((1, N), jnp.float32),
        ],
    )(x, self_h, W, b.reshape(1, D), wa1, wa2, ba.reshape(1, 1))

    ei = edge_index.astype(jnp.int32).reshape(2, NW, EPW)

    sc = pl.kernel(
        _sc_body,
        out_type=[
            jax.ShapeDtypeStruct((E, D), jnp.float32),
            jax.ShapeDtypeStruct((E,), jnp.float32),
        ],
        mesh=plsc.VectorSubcoreMesh(core_axis_name="c", subcore_axis_name="s"),
        compiler_params=pltpu.CompilerParams(needs_layout_passes=False),
        scratch_types=[
            pltpu.VMEM((EPW,), jnp.int32),
            pltpu.VMEM((EPW,), jnp.int32),
            pltpu.VMEM((N,), jnp.float32),
            pltpu.VMEM((N,), jnp.float32),
            pltpu.VMEM((EPW,), jnp.float32),
            pltpu.VMEM((C, D), jnp.float32),
            pltpu.VMEM((C, D), jnp.float32),
            pltpu.VMEM((C, D), jnp.float32),
            pltpu.SemaphoreType.DMA,
            pltpu.SemaphoreType.DMA,
            pltpu.SemaphoreType.DMA,
            pltpu.SemaphoreType.DMA,
            pltpu.SemaphoreType.DMA,
            pltpu.SemaphoreType.DMA,
            pltpu.SemaphoreType.DMA,
        ],
    )
    z1, e = sc(h, s1, s2, ei)
    return (z1, e[:, None])

# --- scband reference (transcript-rebuilt; emitter-appended) ---
"""Pipeline reference for scband-rel-edge-update-42528766165729 (READ-ONLY COPY).

The authoritative reference and input builder live on the scoring server;
editing this copy changes nothing except your own understanding.
"""

import jax, jax.numpy as jnp
import numpy as np

N = 10000
E = 320000
IN_FEATS = 128
OUT_FEATS = 128

def setup_inputs(seed: int = 0) -> dict:
    key = jax.random.key(seed)
    k1, k2, k3, k4, k5, k6, k7 = jax.random.split(key, 7)
    x = jax.random.normal(k1, (N, IN_FEATS), dtype=jnp.float32)
    self_h = jax.random.normal(k2, (N, OUT_FEATS), dtype=jnp.float32)
    edge_index = jax.random.randint(k3, (2, E), 0, N, dtype=jnp.int64)
    # linear: nn.Linear(in_feats, out_feats, bias=True)
    bound_l = 1.0 / np.sqrt(IN_FEATS)
    W = jax.random.uniform(k4, (OUT_FEATS, IN_FEATS), minval=-bound_l, maxval=bound_l, dtype=jnp.float32)
    b = jax.random.uniform(k5, (OUT_FEATS,), minval=-bound_l, maxval=bound_l, dtype=jnp.float32)
    # attn_fc: nn.Linear(2*out_feats, 1, bias=True)
    bound_a = 1.0 / np.sqrt(2 * OUT_FEATS)
    Wa = jax.random.uniform(k6, (1, 2 * OUT_FEATS), minval=-bound_a, maxval=bound_a, dtype=jnp.float32)
    ba = jax.random.uniform(k7, (1,), minval=-bound_a, maxval=bound_a, dtype=jnp.float32)
    return {"x": x, "self_h": self_h, "edge_index": edge_index, "W": W, "b": b, "Wa": Wa, "ba": ba}

def reference(x, self_h, edge_index, W, b, Wa, ba):
    # DGL edge UDF (non-cross-attn branch):
    # edges.src['h']      -> gather x at source nodes
    # edges.dst['self_h'] -> gather self_h at destination nodes
    src_h = jnp.take(x, edge_index[0], axis=0)          # [E, in_feats]
    dst_self_h = jnp.take(self_h, edge_index[1], axis=0)  # [E, out_feats]
    z1 = src_h @ W.T + b                                 # [E, out_feats]
    z2 = jnp.concatenate([z1, dst_self_h], axis=1)       # [E, 2*out_feats]
    a = z2 @ Wa.T + ba                                   # [E, 1]
    e = jnp.where(a >= 0, a, 0.01 * a)                   # F.leaky_relu default slope
    return (z1, e)

if __name__ == "__main__":
    import jax
    _d = setup_inputs()
    print(jax.jit(kernel)(*tuple(_d.values())))

</pallas_src>

<mosaic_0001>
#map = affine_map<(d0, d1) -> (0, 0)>
#map1 = affine_map<(d0, d1) -> (0, 0, 0)>
#map2 = affine_map<(d0, d1) -> (0)>
module attributes {stable_mosaic.version = 14 : i64} {
  func.func @_sc_body(%arg0: i32, %arg1: i32, %arg2: memref<10000x128xf32, #tpu.memory_space<hbm>>, %arg3: memref<1x10000xf32, #tpu.memory_space<hbm>>, %arg4: memref<1x10000xf32, #tpu.memory_space<hbm>>, %arg5: memref<2x32x10000xi32, #tpu.memory_space<hbm>>, %arg6: memref<320000x128xf32, #tpu.memory_space<hbm>>, %arg7: memref<320000xf32, #tpu.memory_space<hbm>>, %arg8: memref<10000xi32, #tpu.memory_space<vmem>>, %arg9: memref<10000xi32, #tpu.memory_space<vmem>>, %arg10: memref<10000xf32, #tpu.memory_space<vmem>>, %arg11: memref<10000xf32, #tpu.memory_space<vmem>>, %arg12: memref<10000xf32, #tpu.memory_space<vmem>>, %arg13: memref<200x128xf32, #tpu.memory_space<vmem>>, %arg14: memref<200x128xf32, #tpu.memory_space<vmem>>, %arg15: memref<200x128xf32, #tpu.memory_space<vmem>>, %arg16: memref<!tpu.dma_semaphore, #tpu.memory_space<semaphore_mem>>, %arg17: memref<!tpu.dma_semaphore, #tpu.memory_space<semaphore_mem>>, %arg18: memref<!tpu.dma_semaphore, #tpu.memory_space<semaphore_mem>>, %arg19: memref<!tpu.dma_semaphore, #tpu.memory_space<semaphore_mem>>, %arg20: memref<!tpu.dma_semaphore, #tpu.memory_space<semaphore_mem>>, %arg21: memref<!tpu.dma_semaphore, #tpu.memory_space<semaphore_mem>>, %arg22: memref<!tpu.dma_semaphore, #tpu.memory_space<semaphore_mem>>) attributes {dimension_semantics = [#tpu.dimension_semantics<core_parallel>, #tpu.dimension_semantics<subcore_parallel>], iteration_bounds = array<i64: 2, 16>, scalar_prefetch = 0 : i64, scratch_operands = 15 : i64, tpu.core_type = #tpu.core_type<sc_vector_subcore>, window_params = [{transform_indices = #map}, {transform_indices = #map}, {transform_indices = #map}, {transform_indices = #map1}, {transform_indices = #map}, {transform_indices = #map2}]} {
    %mul3A = arith.constant 2 : i32
    %mul3A_0 = arith.muli %arg1, %mul3A : i32
    %add3A = arith.addi %mul3A_0, %arg0 : i32
    %mul3A_1 = arith.constant 10000 : i32
    %mul3A_2 = arith.muli %add3A, %mul3A_1 : i32
    %run_scoped3A = arith.constant 0 : i32
    "tpu.region"() ({
      %run_scoped3A_171 = tpu.sem_alloc : memref<!tpu.dma_semaphore, #tpu.memory_space<semaphore_mem>>
      %dma_start3A_172 = arith.constant 0 : i32
      %dma_start3A_173 = tpu.memref_slice %arg5[%run_scoped3A, %add3A, %dma_start3A_172] : memref<2x32x10000xi32, #tpu.memory_space<hbm>> -> memref<1x1x10000xi32, #tpu.memory_space<hbm>>
      %dma_start3A_174 = tpu.memref_squeeze %dma_start3A_173 : memref<1x1x10000xi32, #tpu.memory_space<hbm>> -> memref<10000xi32, #tpu.memory_space<hbm>>
      %dma_start3A_175 = arith.constant 0 : i32
      %dma_start3A_176 = tpu.memref_slice %arg5[%run_scoped3A, %add3A, %dma_start3A_175] : memref<2x32x10000xi32, #tpu.memory_space<hbm>> -> memref<1x1x10000xi32, #tpu.memory_space<hbm>>
      %dma_start3A_177 = tpu.memref_squeeze %dma_start3A_176 : memref<1x1x10000xi32, #tpu.memory_space<hbm>> -> memref<10000xi32, #tpu.memory_space<hbm>>
      tpu.enqueue_dma source(%dma_start3A_177 : memref<10000xi32, #tpu.memory_space<hbm>>) target(%arg8 : memref<10000xi32, #tpu.memory_space<vmem>>) target_semaphore(%run_scoped3A_171 : memref<!tpu.dma_semaphore, #tpu.memory_space<semaphore_mem>>)
      %dma_wait3A_178 = arith.constant 0 : i32
      %dma_wait3A_179 = tpu.memref_slice %arg5[%run_scoped3A, %add3A, %dma_wait3A_178] : memref<2x32x10000xi32, #tpu.memory_space<hbm>> -> memref<1x1x10000xi32, #tpu.memory_space<hbm>>
      %dma_wait3A_180 = tpu.memref_squeeze %dma_wait3A_179 : memref<1x1x10000xi32, #tpu.memory_space<hbm>> -> memref<10000xi32, #tpu.memory_space<hbm>>
      %dma_wait3A_181 = arith.constant 0 : i32
      %dma_wait3A_182 = tpu.memref_slice %arg5[%run_scoped3A, %add3A, %dma_wait3A_181] : memref<2x32x10000xi32, #tpu.memory_space<hbm>> -> memref<1x1x10000xi32, #tpu.memory_space<hbm>>
      %dma_wait3A_183 = tpu.memref_squeeze %dma_wait3A_182 : memref<1x1x10000xi32, #tpu.memory_space<hbm>> -> memref<10000xi32, #tpu.memory_space<hbm>>
      tpu.wait_dma2 semaphore(%run_scoped3A_171 : memref<!tpu.dma_semaphore, #tpu.memory_space<semaphore_mem>>) src(%dma_wait3A_183 : memref<10000xi32, #tpu.memory_space<hbm>>) dst(%arg8 : memref<10000xi32, #tpu.memory_space<vmem>>)
      tpu.yield
    }) : () -> ()
    %dma_start3A = arith.constant 0 : i32
    %dma_start3A_3 = tpu.memref_slice %arg8[%dma_start3A] : memref<10000xi32, #tpu.memory_space<vmem>> -> memref<200xi32, #tpu.memory_space<vmem>>
    %dma_start3A_4 = arith.constant 0 : i32
    %dma_start3A_5 = arith.constant 0 : i32
    %dma_start3A_6 = tpu.memref_slice %arg2[%dma_start3A_4, %dma_start3A_5] : memref<10000x128xf32, #tpu.memory_space<hbm>> -> memref<10000x128xf32, #tpu.memory_space<hbm>>
    tpu.enqueue_indirect_dma source(%dma_start3A_6 : memref<10000x128xf32, #tpu.memory_space<hbm>>) target(%arg13 : memref<200x128xf32, #tpu.memory_space<vmem>>) offsets(%dma_start3A_3 : memref<200xi32, #tpu.memory_space<vmem>>) semaphore(%arg16 : memref<!tpu.dma_semaphore, #tpu.memory_space<semaphore_mem>>)
    %dma_start3A_7 = arith.constant 200 : i32
    %dma_start3A_8 = tpu.memref_slice %arg8[%dma_start3A_7] : memref<10000xi32, #tpu.memory_space<vmem>> -> memref<200xi32, #tpu.memory_space<vmem>>
    %dma_start3A_9 = arith.constant 0 : i32
    %dma_start3A_10 = arith.constant 0 : i32
    %dma_start3A_11 = tpu.memref_slice %arg2[%dma_start3A_9, %dma_start3A_10] : memref<10000x128xf32, #tpu.memory_space<hbm>> -> memref<10000x128xf32, #tpu.memory_space<hbm>>
    tpu.enqueue_indirect_dma source(%dma_start3A_11 : memref<10000x128xf32, #tpu.memory_space<hbm>>) target(%arg14 : memref<200x128xf32, #tpu.memory_space<vmem>>) offsets(%dma_start3A_8 : memref<200xi32, #tpu.memory_space<vmem>>) semaphore(%arg17 : memref<!tpu.dma_semaphore, #tpu.memory_space<semaphore_mem>>)
    %dma_start3A_12 = arith.constant 400 : i32
    %dma_start3A_13 = tpu.memref_slice %arg8[%dma_start3A_12] : memref<10000xi32, #tpu.memory_space<vmem>> -> memref<200xi32, #tpu.memory_space<vmem>>
    %dma_start3A_14 = arith.constant 0 : i32
    %dma_start3A_15 = arith.constant 0 : i32
    %dma_start3A_16 = tpu.memref_slice %arg2[%dma_start3A_14, %dma_start3A_15] : memref<10000x128xf32, #tpu.memory_space<hbm>> -> memref<10000x128xf32, #tpu.memory_space<hbm>>
    tpu.enqueue_indirect_dma source(%dma_start3A_16 : memref<10000x128xf32, #tpu.memory_space<hbm>>) target(%arg15 : memref<200x128xf32, #tpu.memory_space<vmem>>) offsets(%dma_start3A_13 : memref<200xi32, #tpu.memory_space<vmem>>) semaphore(%arg18 : memref<!tpu.dma_semaphore, #tpu.memory_space<semaphore_mem>>)
    %dma_start3A_17 = arith.constant 1 : i32
    %dma_start3A_18 = arith.constant 0 : i32
    %dma_start3A_19 = tpu.memref_slice %arg5[%dma_start3A_17, %add3A, %dma_start3A_18] : memref<2x32x10000xi32, #tpu.memory_space<hbm>> -> memref<1x1x10000xi32, #tpu.memory_space<hbm>>
    %dma_start3A_20 = tpu.memref_squeeze %dma_start3A_19 : memref<1x1x10000xi32, #tpu.memory_space<hbm>> -> memref<10000xi32, #tpu.memory_space<hbm>>
    %dma_start3A_21 = arith.constant 0 : i32
    %dma_start3A_22 = tpu.memref_slice %arg5[%dma_start3A_17, %add3A, %dma_start3A_21] : memref<2x32x10000xi32, #tpu.memory_space<hbm>> -> memref<1x1x10000xi32, #tpu.memory_space<hbm>>
    %dma_start3A_23 = tpu.memref_squeeze %dma_start3A_22 : memref<1x1x10000xi32, #tpu.memory_space<hbm>> -> memref<10000xi32, #tpu.memory_space<hbm>>
    tpu.enqueue_dma source(%dma_start3A_23 : memref<10000xi32, #tpu.memory_space<hbm>>) target(%arg9 : memref<10000xi32, #tpu.memory_space<vmem>>) target_semaphore(%arg22 : memref<!tpu.dma_semaphore, #tpu.memory_space<semaphore_mem>>)
    %dma_start3A_24 = arith.constant 0 : i32
    %dma_start3A_25 = arith.constant 0 : i32
    %dma_start3A_26 = tpu.memref_slice %arg3[%dma_start3A_24, %dma_start3A_25] : memref<1x10000xf32, #tpu.memory_space<hbm>> -> memref<1x10000xf32, #tpu.memory_space<hbm>>
    %dma_start3A_27 = tpu.memref_squeeze %dma_start3A_26 : memref<1x10000xf32, #tpu.memory_space<hbm>> -> memref<10000xf32, #tpu.memory_space<hbm>>
    %dma_start3A_28 = arith.constant 0 : i32
    %dma_start3A_29 = tpu.memref_slice %arg3[%dma_start3A_24, %dma_start3A_28] : memref<1x10000xf32, #tpu.memory_space<hbm>> -> memref<1x10000xf32, #tpu.memory_space<hbm>>
    %dma_start3A_30 = tpu.memref_squeeze %dma_start3A_29 : memref<1x10000xf32, #tpu.memory_space<hbm>> -> memref<10000xf32, #tpu.memory_space<hbm>>
    tpu.enqueue_dma source(%dma_start3A_30 : memref<10000xf32, #tpu.memory_space<hbm>>) target(%arg10 : memref<10000xf32, #tpu.memory_space<vmem>>) target_semaphore(%arg22 : memref<!tpu.dma_semaphore, #tpu.memory_space<semaphore_mem>>)
    %dma_start3A_31 = arith.constant 0 : i32
    %dma_start3A_32 = arith.constant 0 : i32
    %dma_start3A_33 = tpu.memref_slice %arg4[%dma_start3A_31, %dma_start3A_32] : memref<1x10000xf32, #tpu.memory_space<hbm>> -> memref<1x10000xf32, #tpu.memory_space<hbm>>
    %dma_start3A_34 = tpu.memref_squeeze %dma_start3A_33 : memref<1x10000xf32, #tpu.memory_space<hbm>> -> memref<10000xf32, #tpu.memory_space<hbm>>
    %dma_start3A_35 = arith.constant 0 : i32
    %dma_start3A_36 = tpu.memref_slice %arg4[%dma_start3A_31, %dma_start3A_35] : memref<1x10000xf32, #tpu.memory_space<hbm>> -> memref<1x10000xf32, #tpu.memory_space<hbm>>
    %dma_start3A_37 = tpu.memref_squeeze %dma_start3A_36 : memref<1x10000xf32, #tpu.memory_space<hbm>> -> memref<10000xf32, #tpu.memory_space<hbm>>
    tpu.enqueue_dma source(%dma_start3A_37 : memref<10000xf32, #tpu.memory_space<hbm>>) target(%arg11 : memref<10000xf32, #tpu.memory_space<vmem>>) target_semaphore(%arg22 : memref<!tpu.dma_semaphore, #tpu.memory_space<semaphore_mem>>)
    %dma_wait3A = arith.constant 0 : i32
    %dma_wait3A_38 = arith.constant 0 : i32
    %dma_wait3A_39 = tpu.memref_slice %arg6[%dma_wait3A, %dma_wait3A_38] : memref<320000x128xf32, #tpu.memory_space<hbm>> -> memref<200x128xf32, #tpu.memory_space<hbm>>
    %dma_wait3A_40 = arith.constant 0 : i32
    %dma_wait3A_41 = arith.constant 0 : i32
    %dma_wait3A_42 = tpu.memref_slice %arg6[%dma_wait3A_40, %dma_wait3A_41] : memref<320000x128xf32, #tpu.memory_space<hbm>> -> memref<200x128xf32, #tpu.memory_space<hbm>>
    tpu.wait_dma2 semaphore(%arg16 : memref<!tpu.dma_semaphore, #tpu.memory_space<semaphore_mem>>) src(%dma_wait3A_42 : memref<200x128xf32, #tpu.memory_space<hbm>>) dst(%arg13 : memref<200x128xf32, #tpu.memory_space<vmem>>)
    %add3A_43 = arith.constant 0 : i32
    %add3A_44 = arith.addi %mul3A_2, %add3A_43 : i32
    %dma_start3A_45 = arith.constant 0 : i32
    %dma_start3A_46 = tpu.memref_slice %arg6[%add3A_44, %dma_start3A_45] : memref<320000x128xf32, #tpu.memory_space<hbm>> -> memref<200x128xf32, #tpu.memory_space<hbm>>
    %dma_start3A_47 = arith.constant 0 : i32
    %dma_start3A_48 = tpu.memref_slice %arg6[%add3A_44, %dma_start3A_47] : memref<320000x128xf32, #tpu.memory_space<hbm>> -> memref<200x128xf32, #tpu.memory_space<hbm>>
    tpu.enqueue_dma source(%arg13 : memref<200x128xf32, #tpu.memory_space<vmem>>) target(%dma_start3A_48 : memref<200x128xf32, #tpu.memory_space<hbm>>) target_semaphore(%arg19 : memref<!tpu.dma_semaphore, #tpu.memory_space<semaphore_mem>>)
    %dma_wait3A_49 = arith.constant 0 : i32
    %dma_wait3A_50 = arith.constant 0 : i32
    %dma_wait3A_51 = tpu.memref_slice %arg6[%dma_wait3A_49, %dma_wait3A_50] : memref<320000x128xf32, #tpu.memory_space<hbm>> -> memref<200x128xf32, #tpu.memory_space<hbm>>
    %dma_wait3A_52 = arith.constant 0 : i32
    %dma_wait3A_53 = arith.constant 0 : i32
    %dma_wait3A_54 = tpu.memref_slice %arg6[%dma_wait3A_52, %dma_wait3A_53] : memref<320000x128xf32, #tpu.memory_space<hbm>> -> memref<200x128xf32, #tpu.memory_space<hbm>>
    tpu.wait_dma2 semaphore(%arg17 : memref<!tpu.dma_semaphore, #tpu.memory_space<semaphore_mem>>) src(%dma_wait3A_54 : memref<200x128xf32, #tpu.memory_space<hbm>>) dst(%arg14 : memref<200x128xf32, #tpu.memory_space<vmem>>)
    %add3A_55 = arith.constant 200 : i32
    %add3A_56 = arith.addi %mul3A_2, %add3A_55 : i32
    %dma_start3A_57 = arith.constant 0 : i32
    %dma_start3A_58 = tpu.memref_slice %arg6[%add3A_56, %dma_start3A_57] : memref<320000x128xf32, #tpu.memory_space<hbm>> -> memref<200x128xf32, #tpu.memory_space<hbm>>
    %dma_start3A_59 = arith.constant 0 : i32
    %dma_start3A_60 = tpu.memref_slice %arg6[%add3A_56, %dma_start3A_59] : memref<320000x128xf32, #tpu.memory_space<hbm>> -> memref<200x128xf32, #tpu.memory_space<hbm>>
    tpu.enqueue_dma source(%arg14 : memref<200x128xf32, #tpu.memory_space<vmem>>) target(%dma_start3A_60 : memref<200x128xf32, #tpu.memory_space<hbm>>) target_semaphore(%arg20 : memref<!tpu.dma_semaphore, #tpu.memory_space<semaphore_mem>>)
    %dma_wait3A_61 = arith.constant 0 : i32
    %dma_wait3A_62 = arith.constant 0 : i32
    %dma_wait3A_63 = tpu.memref_slice %arg6[%dma_wait3A_61, %dma_wait3A_62] : memref<320000x128xf32, #tpu.memory_space<hbm>> -> memref<200x128xf32, #tpu.memory_space<hbm>>
    %dma_wait3A_64 = arith.constant 0 : i32
    %dma_wait3A_65 = arith.constant 0 : i32
    %dma_wait3A_66 = tpu.memref_slice %arg6[%dma_wait3A_64, %dma_wait3A_65] : memref<320000x128xf32, #tpu.memory_space<hbm>> -> memref<200x128xf32, #tpu.memory_space<hbm>>
    tpu.wait_dma2 semaphore(%arg19 : memref<!tpu.dma_semaphore, #tpu.memory_space<semaphore_mem>>) src(%arg13 : memref<200x128xf32, #tpu.memory_space<vmem>>) dst(%dma_wait3A_66 : memref<200x128xf32, #tpu.memory_space<hbm>>)
    %dma_start3A_67 = arith.constant 600 : i32
    %dma_start3A_68 = tpu.memref_slice %arg8[%dma_start3A_67] : memref<10000xi32, #tpu.memory_space<vmem>> -> memref<200xi32, #tpu.memory_space<vmem>>
    %dma_start3A_69 = arith.constant 0 : i32
    %dma_start3A_70 = arith.constant 0 : i32
    %dma_start3A_71 = tpu.memref_slice %arg2[%dma_start3A_69, %dma_start3A_70] : memref<10000x128xf32, #tpu.memory_space<hbm>> -> memref<10000x128xf32, #tpu.memory_space<hbm>>
    tpu.enqueue_indirect_dma source(%dma_start3A_71 : memref<10000x128xf32, #tpu.memory_space<hbm>>) target(%arg13 : memref<200x128xf32, #tpu.memory_space<vmem>>) offsets(%dma_start3A_68 : memref<200xi32, #tpu.memory_space<vmem>>) semaphore(%arg16 : memref<!tpu.dma_semaphore, #tpu.memory_space<semaphore_mem>>)
    %dma_wait3A_72 = arith.constant 1 : i32
    %dma_wait3A_73 = arith.constant 0 : i32
    %dma_wait3A_74 = tpu.memref_slice %arg5[%dma_wait3A_72, %add3A, %dma_wait3A_73] : memref<2x32x10000xi32, #tpu.memory_space<hbm>> -> memref<1x1x10000xi32, #tpu.memory_space<hbm>>
    %dma_wait3A_75 = tpu.memref_squeeze %dma_wait3A_74 : memref<1x1x10000xi32, #tpu.memory_space<hbm>> -> memref<10000xi32, #tpu.memory_space<hbm>>
    %dma_wait3A_76 = arith.constant 0 : i32
    %dma_wait3A_77 = tpu.memref_slice %arg5[%dma_wait3A_72, %add3A, %dma_wait3A_76] : memref<2x32x10000xi32, #tpu.memory_space<hbm>> -> memref<1x1x10000xi32, #tpu.memory_space<hbm>>
    %dma_wait3A_78 = tpu.memref_squeeze %dma_wait3A_77 : memref<1x1x10000xi32, #tpu.memory_space<hbm>> -> memref<10000xi32, #tpu.memory_space<hbm>>
    tpu.wait_dma2 semaphore(%arg22 : memref<!tpu.dma_semaphore, #tpu.memory_space<semaphore_mem>>) src(%dma_wait3A_78 : memref<10000xi32, #tpu.memory_space<hbm>>) dst(%arg9 : memref<10000xi32, #tpu.memory_space<vmem>>)
    %dma_wait3A_79 = arith.constant 0 : i32
    %dma_wait3A_80 = arith.constant 0 : i32
    %dma_wait3A_81 = tpu.memref_slice %arg3[%dma_wait3A_79, %dma_wait3A_80] : memref<1x10000xf32, #tpu.memory_space<hbm>> -> memref<1x10000xf32, #tpu.memory_space<hbm>>
    %dma_wait3A_82 = tpu.memref_squeeze %dma_wait3A_81 : memref<1x10000xf32, #tpu.memory_space<hbm>> -> memref<10000xf32, #tpu.memory_space<hbm>>
    %dma_wait3A_83 = arith.constant 0 : i32
    %dma_wait3A_84 = tpu.memref_slice %arg3[%dma_wait3A_79, %dma_wait3A_83] : memref<1x10000xf32, #tpu.memory_space<hbm>> -> memref<1x10000xf32, #tpu.memory_space<hbm>>
    %dma_wait3A_85 = tpu.memref_squeeze %dma_wait3A_84 : memref<1x10000xf32, #tpu.memory_space<hbm>> -> memref<10000xf32, #tpu.memory_space<hbm>>
    tpu.wait_dma2 semaphore(%arg22 : memref<!tpu.dma_semaphore, #tpu.memory_space<semaphore_mem>>) src(%dma_wait3A_85 : memref<10000xf32, #tpu.memory_space<hbm>>) dst(%arg10 : memref<10000xf32, #tpu.memory_space<vmem>>)
    %dma_wait3A_86 = arith.constant 0 : i32
    %dma_wait3A_87 = arith.constant 0 : i32
    %dma_wait3A_88 = tpu.memref_slice %arg4[%dma_wait3A_86, %dma_wait3A_87] : memref<1x10000xf32, #tpu.memory_space<hbm>> -> memref<1x10000xf32, #tpu.memory_space<hbm>>
    %dma_wait3A_89 = tpu.memref_squeeze %dma_wait3A_88 : memref<1x10000xf32, #tpu.memory_space<hbm>> -> memref<10000xf32, #tpu.memory_space<hbm>>
    %dma_wait3A_90 = arith.constant 0 : i32
    %dma_wait3A_91 = tpu.memref_slice %arg4[%dma_wait3A_86, %dma_wait3A_90] : memref<1x10000xf32, #tpu.memory_space<hbm>> -> memref<1x10000xf32, #tpu.memory_space<hbm>>
    %dma_wait3A_92 = tpu.memref_squeeze %dma_wait3A_91 : memref<1x10000xf32, #tpu.memory_space<hbm>> -> memref<10000xf32, #tpu.memory_space<hbm>>
    tpu.wait_dma2 semaphore(%arg22 : memref<!tpu.dma_semaphore, #tpu.memory_space<semaphore_mem>>) src(%dma_wait3A_92 : memref<10000xf32, #tpu.memory_space<hbm>>) dst(%arg11 : memref<10000xf32, #tpu.memory_space<vmem>>)
    %scan3A = arith.constant 0 : i32
    %scan3A_93 = arith.constant 0 : i32
    %scan3A_94 = arith.constant 15 : i32
    %scan3A_95 = arith.addi %scan3A_93, %scan3A_94 : i32
    %scan3A_96 = arith.constant 1 : i32
    %scan3A_97 = scf.for %scan3A_171 = %scan3A_93 to %scan3A_95 step %scan3A_96 iter_args(%scan3A_172 = %scan3A) -> (i32)  : i32 {
      %mul3A_173 = arith.constant 3 : i32
      %mul3A_174 = arith.muli %mul3A_173, %scan3A_171 : i32
      %add3A_175 = arith.constant 2 : i32
      %add3A_176 = arith.addi %mul3A_174, %add3A_175 : i32
      %add3A_177 = arith.constant 0 : i32
      %add3A_178 = arith.addi %add3A_176, %add3A_177 : i32
      %dma_wait3A_179 = arith.constant 0 : i32
      %dma_wait3A_180 = arith.constant 0 : i32
      %dma_wait3A_181 = tpu.memref_slice %arg6[%dma_wait3A_179, %dma_wait3A_180] : memref<320000x128xf32, #tpu.memory_space<hbm>> -> memref<200x128xf32, #tpu.memory_space<hbm>>
      %dma_wait3A_182 = arith.constant 0 : i32
      %dma_wait3A_183 = arith.constant 0 : i32
      %dma_wait3A_184 = tpu.memref_slice %arg6[%dma_wait3A_182, %dma_wait3A_183] : memref<320000x128xf32, #tpu.memory_space<hbm>> -> memref<200x128xf32, #tpu.memory_space<hbm>>
      tpu.wait_dma2 semaphore(%arg18 : memref<!tpu.dma_semaphore, #tpu.memory_space<semaphore_mem>>) src(%dma_wait3A_184 : memref<200x128xf32, #tpu.memory_space<hbm>>) dst(%arg15 : memref<200x128xf32, #tpu.memory_space<vmem>>)
      %mul3A_185 = arith.constant 200 : i32
      %mul3A_186 = arith.muli %add3A_178, %mul3A_185 : i32
      %add3A_187 = arith.addi %mul3A_2, %mul3A_186 : i32
      %dma_start3A_188 = arith.constant 0 : i32
      %dma_start3A_189 = tpu.memref_slice %arg6[%add3A_187, %dma_start3A_188] : memref<320000x128xf32, #tpu.memory_space<hbm>> -> memref<200x128xf32, #tpu.memory_space<hbm>>
      %dma_start3A_190 = arith.constant 0 : i32
      %dma_start3A_191 = tpu.memref_slice %arg6[%add3A_187, %dma_start3A_190] : memref<320000x128xf32, #tpu.memory_space<hbm>> -> memref<200x128xf32, #tpu.memory_space<hbm>>
      tpu.enqueue_dma source(%arg15 : memref<200x128xf32, #tpu.memory_space<vmem>>) target(%dma_start3A_191 : memref<200x128xf32, #tpu.memory_space<hbm>>) target_semaphore(%arg21 : memref<!tpu.dma_semaphore, #tpu.memory_space<semaphore_mem>>)
      %dma_wait3A_192 = arith.constant 0 : i32
      %dma_wait3A_193 = arith.constant 0 : i32
      %dma_wait3A_194 = tpu.memref_slice %arg6[%dma_wait3A_192, %dma_wait3A_193] : memref<320000x128xf32, #tpu.memory_space<hbm>> -> memref<200x128xf32, #tpu.memory_space<hbm>>
      %dma_wait3A_195 = arith.constant 0 : i32
      %dma_wait3A_196 = arith.constant 0 : i32
      %dma_wait3A_197 = tpu.memref_slice %arg6[%dma_wait3A_195, %dma_wait3A_196] : memref<320000x128xf32, #tpu.memory_space<hbm>> -> memref<200x128xf32, #tpu.memory_space<hbm>>
      tpu.wait_dma2 semaphore(%arg20 : memref<!tpu.dma_semaphore, #tpu.memory_space<semaphore_mem>>) src(%arg14 : memref<200x128xf32, #tpu.memory_space<vmem>>) dst(%dma_wait3A_197 : memref<200x128xf32, #tpu.memory_space<hbm>>)
      %add3A_198 = arith.constant 2 : i32
      %add3A_199 = arith.addi %add3A_178, %add3A_198 : i32
      %mul3A_200 = arith.constant 200 : i32
      %mul3A_201 = arith.muli %add3A_199, %mul3A_200 : i32
      %dma_start3A_202 = tpu.memref_slice %arg8[%mul3A_201] : memref<10000xi32, #tpu.memory_space<vmem>> -> memref<200xi32, #tpu.memory_space<vmem>>
      %dma_start3A_203 = arith.constant 0 : i32
      %dma_start3A_204 = arith.constant 0 : i32
      %dma_start3A_205 = tpu.memref_slice %arg2[%dma_start3A_203, %dma_start3A_204] : memref<10000x128xf32, #tpu.memory_space<hbm>> -> memref<10000x128xf32, #tpu.memory_space<hbm>>
      tpu.enqueue_indirect_dma source(%dma_start3A_205 : memref<10000x128xf32, #tpu.memory_space<hbm>>) target(%arg14 : memref<200x128xf32, #tpu.memory_space<vmem>>) offsets(%dma_start3A_202 : memref<200xi32, #tpu.memory_space<vmem>>) semaphore(%arg17 : memref<!tpu.dma_semaphore, #tpu.memory_space<semaphore_mem>>)
      %mul3A_206 = arith.constant 3 : i32
      %mul3A_207 = arith.muli %mul3A_206, %scan3A_171 : i32
      %add3A_208 = arith.constant 2 : i32
      %add3A_209 = arith.addi %mul3A_207, %add3A_208 : i32
      %add3A_210 = arith.constant 1 : i32
      %add3A_211 = arith.addi %add3A_209, %add3A_210 : i32
      %dma_wait3A_212 = arith.constant 0 : i32
      %dma_wait3A_213 = arith.constant 0 : i32
      %dma_wait3A_214 = tpu.memref_slice %arg6[%dma_wait3A_212, %dma_wait3A_213] : memref<320000x128xf32, #tpu.memory_space<hbm>> -> memref<200x128xf32, #tpu.memory_space<hbm>>
      %dma_wait3A_215 = arith.constant 0 : i32
      %dma_wait3A_216 = arith.constant 0 : i32
      %dma_wait3A_217 = tpu.memref_slice %arg6[%dma_wait3A_215, %dma_wait3A_216] : memref<320000x128xf32, #tpu.memory_space<hbm>> -> memref<200x128xf32, #tpu.memory_space<hbm>>
      tpu.wait_dma2 semaphore(%arg16 : memref<!tpu.dma_semaphore, #tpu.memory_space<semaphore_mem>>) src(%dma_wait3A_217 : memref<200x128xf32, #tpu.memory_space<hbm>>) dst(%arg13 : memref<200x128xf32, #tpu.memory_space<vmem>>)
      %mul3A_218 = arith.constant 200 : i32
      %mul3A_219 = arith.muli %add3A_211, %mul3A_218 : i32
      %add3A_220 = arith.addi %mul3A_2, %mul3A_219 : i32
      %dma_start3A_221 = arith.constant 0 : i32
      %dma_start3A_222 = tpu.memref_slice %arg6[%add3A_220, %dma_start3A_221] : memref<320000x128xf32, #tpu.memory_space<hbm>> -> memref<200x128xf32, #tpu.memory_space<hbm>>
      %dma_start3A_223 = arith.constant 0 : i32
      %dma_start3A_224 = tpu.memref_slice %arg6[%add3A_220, %dma_start3A_223] : memref<320000x128xf32, #tpu.memory_space<hbm>> -> memref<200x128xf32, #tpu.memory_space<hbm>>
      tpu.enqueue_dma source(%arg13 : memref<200x128xf32, #tpu.memory_space<vmem>>) target(%dma_start3A_224 : memref<200x128xf32, #tpu.memory_space<hbm>>) target_semaphore(%arg19 : memref<!tpu.dma_semaphore, #tpu.memory_space<semaphore_mem>>)
      %dma_wait3A_225 = arith.constant 0 : i32
      %dma_wait3A_226 = arith.constant 0 : i32
      %dma_wait3A_227 = tpu.memref_slice %arg6[%dma_wait3A_225, %dma_wait3A_226] : memref<320000x128xf32, #tpu.memory_space<hbm>> -> memref<200x128xf32, #tpu.memory_space<hbm>>
      %dma_wait3A_228 = arith.constant 0 : i32
      %dma_wait3A_229 = arith.constant 0 : i32
      %dma_wait3A_230 = tpu.memref_slice %arg6[%dma_wait3A_228, %dma_wait3A_229] : memref<320000x128xf32, #tpu.memory_space<hbm>> -> memref<200x128xf32, #tpu.memory_space<hbm>>
      tpu.wait_dma2 semaphore(%arg21 : memref<!tpu.dma_semaphore, #tpu.memory_space<semaphore_mem>>) src(%arg15 : memref<200x128xf32, #tpu.memory_space<vmem>>) dst(%dma_wait3A_230 : memref<200x128xf32, #tpu.memory_space<hbm>>)
      %add3A_231 = arith.constant 2 : i32
      %add3A_232 = arith.addi %add3A_211, %add3A_231 : i32
      %mul3A_233 = arith.constant 200 : i32
      %mul3A_234 = arith.muli %add3A_232, %mul3A_233 : i32
      %dma_start3A_235 = tpu.memref_slice %arg8[%mul3A_234] : memref<10000xi32, #tpu.memory_space<vmem>> -> memref<200xi32, #tpu.memory_space<vmem>>
      %dma_start3A_236 = arith.constant 0 : i32
      %dma_start3A_237 = arith.constant 0 : i32
      %dma_start3A_238 = tpu.memref_slice %arg2[%dma_start3A_236, %dma_start3A_237] : memref<10000x128xf32, #tpu.memory_space<hbm>> -> memref<10000x128xf32, #tpu.memory_space<hbm>>
      tpu.enqueue_indirect_dma source(%dma_start3A_238 : memref<10000x128xf32, #tpu.memory_space<hbm>>) target(%arg15 : memref<200x128xf32, #tpu.memory_space<vmem>>) offsets(%dma_start3A_235 : memref<200xi32, #tpu.memory_space<vmem>>) semaphore(%arg18 : memref<!tpu.dma_semaphore, #tpu.memory_space<semaphore_mem>>)
      %mul3A_239 = arith.constant 3 : i32
      %mul3A_240 = arith.muli %mul3A_239, %scan3A_171 : i32
      %add3A_241 = arith.constant 2 : i32
      %add3A_242 = arith.addi %mul3A_240, %add3A_241 : i32
      %add3A_243 = arith.constant 2 : i32
      %add3A_244 = arith.addi %add3A_242, %add3A_243 : i32
      %dma_wait3A_245 = arith.constant 0 : i32
      %dma_wait3A_246 = arith.constant 0 : i32
      %dma_wait3A_247 = tpu.memref_slice %arg6[%dma_wait3A_245, %dma_wait3A_246] : memref<320000x128xf32, #tpu.memory_space<hbm>> -> memref<200x128xf32, #tpu.memory_space<hbm>>
      %dma_wait3A_248 = arith.constant 0 : i32
      %dma_wait3A_249 = arith.constant 0 : i32
      %dma_wait3A_250 = tpu.memref_slice %arg6[%dma_wait3A_248, %dma_wait3A_249] : memref<320000x128xf32, #tpu.memory_space<hbm>> -> memref<200x128xf32, #tpu.memory_space<hbm>>
      tpu.wait_dma2 semaphore(%arg17 : memref<!tpu.dma_semaphore, #tpu.memory_space<semaphore_mem>>) src(%dma_wait3A_250 : memref<200x128xf32, #tpu.memory_space<hbm>>) dst(%arg14 : memref<200x128xf32, #tpu.memory_space<vmem>>)
      %mul3A_251 = arith.constant 200 : i32
      %mul3A_252 = arith.muli %add3A_244, %mul3A_251 : i32
      %add3A_253 = arith.addi %mul3A_2, %mul3A_252 : i32
      %dma_start3A_254 = arith.constant 0 : i32
      %dma_start3A_255 = tpu.memref_slice %arg6[%add3A_253, %dma_start3A_254] : memref<320000x128xf32, #tpu.memory_space<hbm>> -> memref<200x128xf32, #tpu.memory_space<hbm>>
      %dma_start3A_256 = arith.constant 0 : i32
      %dma_start3A_257 = tpu.memref_slice %arg6[%add3A_253, %dma_start3A_256] : memref<320000x128xf32, #tpu.memory_space<hbm>> -> memref<200x128xf32, #tpu.memory_space<hbm>>
      tpu.enqueue_dma source(%arg14 : memref<200x128xf32, #tpu.memory_space<vmem>>) target(%dma_start3A_257 : memref<200x128xf32, #tpu.memory_space<hbm>>) target_semaphore(%arg20 : memref<!tpu.dma_semaphore, #tpu.memory_space<semaphore_mem>>)
      %dma_wait3A_258 = arith.constant 0 : i32
      %dma_wait3A_259 = arith.constant 0 : i32
      %dma_wait3A_260 = tpu.memref_slice %arg6[%dma_wait3A_258, %dma_wait3A_259] : memref<320000x128xf32, #tpu.memory_space<hbm>> -> memref<200x128xf32, #tpu.memory_space<hbm>>
      %dma_wait3A_261 = arith.constant 0 : i32
      %dma_wait3A_262 = arith.constant 0 : i32
      %dma_wait3A_263 = tpu.memref_slice %arg6[%dma_wait3A_261, %dma_wait3A_262] : memref<320000x128xf32, #tpu.memory_space<hbm>> -> memref<200x128xf32, #tpu.memory_space<hbm>>
      tpu.wait_dma2 semaphore(%arg19 : memref<!tpu.dma_semaphore, #tpu.memory_space<semaphore_mem>>) src(%arg13 : memref<200x128xf32, #tpu.memory_space<vmem>>) dst(%dma_wait3A_263 : memref<200x128xf32, #tpu.memory_space<hbm>>)
      %add3A_264 = arith.constant 2 : i32
      %add3A_265 = arith.addi %add3A_244, %add3A_264 : i32
      %mul3A_266 = arith.constant 200 : i32
      %mul3A_267 = arith.muli %add3A_265, %mul3A_266 : i32
      %dma_start3A_268 = tpu.memref_slice %arg8[%mul3A_267] : memref<10000xi32, #tpu.memory_space<vmem>> -> memref<200xi32, #tpu.memory_space<vmem>>
      %dma_start3A_269 = arith.constant 0 : i32
      %dma_start3A_270 = arith.constant 0 : i32
      %dma_start3A_271 = tpu.memref_slice %arg2[%dma_start3A_269, %dma_start3A_270] : memref<10000x128xf32, #tpu.memory_space<hbm>> -> memref<10000x128xf32, #tpu.memory_space<hbm>>
      tpu.enqueue_indirect_dma source(%dma_start3A_271 : memref<10000x128xf32, #tpu.memory_space<hbm>>) target(%arg13 : memref<200x128xf32, #tpu.memory_space<vmem>>) offsets(%dma_start3A_268 : memref<200xi32, #tpu.memory_space<vmem>>) semaphore(%arg16 : memref<!tpu.dma_semaphore, #tpu.memory_space<semaphore_mem>>)
      %scan3A_272 = arith.constant 0 : i32
      %scan3A_273 = arith.constant 0 : i32
      %scan3A_274 = arith.constant 40 : i32
      %scan3A_275 = arith.addi %scan3A_273, %scan3A_274 : i32
      %scan3A_276 = arith.constant 4 : i32
      %scan3A_277 = scf.for %scan3A_301 = %scan3A_273 to %scan3A_275 step %scan3A_276 iter_args(%scan3A_302 = %scan3A_272) -> (i32)  : i32 {
        %mul3A_303 = arith.constant 41 : i32
        %mul3A_304 = arith.muli %scan3A_171, %mul3A_303 : i32
        %add3A_305 = arith.addi %mul3A_304, %scan3A_301 : i32
        %mul3A_306 = arith.constant 16 : i32
        %mul3A_307 = arith.muli %add3A_305, %mul3A_306 : i32
        %get3A_308 = arith.index_cast %mul3A_307 : i32 to index
        %get3A_309 = tpu.vector_load %arg8[%get3A_308] {strides = array<i32>} : memref<10000xi32, #tpu.memory_space<vmem>>, vector<16xi32>,
        %mul3A_310 = arith.constant 16 : i32
        %mul3A_311 = arith.muli %add3A_305, %mul3A_310 : i32
        %get3A_312 = arith.index_cast %mul3A_311 : i32 to index
        %get3A_313 = tpu.vector_load %arg9[%get3A_312] {strides = array<i32>} : memref<10000xi32, #tpu.memory_space<vmem>>, vector<16xi32>,
        %gather3A_314 = tpu.vector_load_idx %arg10[%get3A_309] : memref<10000xf32, #tpu.memory_space<vmem>>[vector<16xi32>], vector<16xf32>,
        %gather3A_315 = tpu.vector_load_idx %arg11[%get3A_313] : memref<10000xf32, #tpu.memory_space<vmem>>[vector<16xi32>], vector<16xf32>,
        %add3A_316 = arith.addf %gather3A_314, %gather3A_315 : vector<16xf32>
        %mul3A_317 = arith.constant 0.00999999977 : f32
        %mul3A_318 = vector.broadcast %mul3A_317 : f32 to vector<16xf32>
        %mul3A_319 = arith.mulf %mul3A_318, %add3A_316 : vector<16xf32>
        %max3A_320 = arith.maximumf %add3A_316, %mul3A_319 : vector<16xf32>
        %mul3A_321 = arith.constant 16 : i32
        %mul3A_322 = arith.muli %add3A_305, %mul3A_321 : i32
        %swap3A_323 = arith.index_cast %mul3A_322 : i32 to index
        %swap3A_324 = tpu.vector_load %arg12[%swap3A_323] {strides = array<i32>} : memref<10000xf32, #tpu.memory_space<vmem>>, vector<16xf32>,
        tpu.vector_store %arg12[%swap3A_323], %max3A_320 {strides = array<i32>} : memref<10000xf32, #tpu.memory_space<vmem>>, vector<16xf32>,
        %scan3A_325 = arith.constant 0 : i32
        %scan3A_326 = arith.constant 1 : i32
        %scan3A_327 = arith.addi %scan3A_301, %scan3A_326 : i32
        %mul3A_328 = arith.constant 41 : i32
        %mul3A_329 = arith.muli %scan3A_171, %mul3A_328 : i32
        %add3A_330 = arith.addi %mul3A_329, %scan3A_327 : i32
        %mul3A_331 = arith.constant 16 : i32
        %mul3A_332 = arith.muli %add3A_330, %mul3A_331 : i32
        %get3A_333 = arith.index_cast %mul3A_332 : i32 to index
        %get3A_334 = tpu.vector_load %arg8[%get3A_333] {strides = array<i32>} : memref<10000xi32, #tpu.memory_space<vmem>>, vector<16xi32>,
        %mul3A_335 = arith.constant 16 : i32
        %mul3A_336 = arith.muli %add3A_330, %mul3A_335 : i32
        %get3A_337 = arith.index_cast %mul3A_336 : i32 to index
        %get3A_338 = tpu.vector_load %arg9[%get3A_337] {strides = array<i32>} : memref<10000xi32, #tpu.memory_space<vmem>>, vector<16xi32>,
        %gather3A_339 = tpu.vector_load_idx %arg10[%get3A_334] : memref<10000xf32, #tpu.memory_space<vmem>>[vector<16xi32>], vector<16xf32>,
        %gather3A_340 = tpu.vector_load_idx %arg11[%get3A_338] : memref<10000xf32, #tpu.memory_space<vmem>>[vector<16xi32>], vector<16xf32>,
        %add3A_341 = arith.addf %gather3A_339, %gather3A_340 : vector<16xf32>
        %mul3A_342 = arith.constant 0.00999999977 : f32
        %mul3A_343 = vector.broadcast %mul3A_342 : f32 to vector<16xf32>
        %mul3A_344 = arith.mulf %mul3A_343, %add3A_341 : vector<16xf32>
        %max3A_345 = arith.maximumf %add3A_341, %mul3A_344 : vector<16xf32>
        %mul3A_346 = arith.constant 16 : i32
        %mul3A_347 = arith.muli %add3A_330, %mul3A_346 : i32
        %swap3A_348 = arith.index_cast %mul3A_347 : i32 to index
        %swap3A_349 = tpu.vector_load %arg12[%swap3A_348] {strides = array<i32>} : memref<10000xf32, #tpu.memory_space<vmem>>, vector<16xf32>,
        tpu.vector_store %arg12[%swap3A_348], %max3A_345 {strides = array<i32>} : memref<10000xf32, #tpu.memory_space<vmem>>, vector<16xf32>,
        %scan3A_350 = arith.constant 0 : i32
        %scan3A_351 = arith.constant 2 : i32
        %scan3A_352 = arith.addi %scan3A_301, %scan3A_351 : i32
        %mul3A_353 = arith.constant 41 : i32
        %mul3A_354 = arith.muli %scan3A_171, %mul3A_353 : i32
        %add3A_355 = arith.addi %mul3A_354, %scan3A_352 : i32
        %mul3A_356 = arith.constant 16 : i32
        %mul3A_357 = arith.muli %add3A_355, %mul3A_356 : i32
        %get3A_358 = arith.index_cast %mul3A_357 : i32 to index
        %get3A_359 = tpu.vector_load %arg8[%get3A_358] {strides = array<i32>} : memref<10000xi32, #tpu.memory_space<vmem>>, vector<16xi32>,
        %mul3A_360 = arith.constant 16 : i32
        %mul3A_361 = arith.muli %add3A_355, %mul3A_360 : i32
        %get3A_362 = arith.index_cast %mul3A_361 : i32 to index
        %get3A_363 = tpu.vector_load %arg9[%get3A_362] {strides = array<i32>} : memref<10000xi32, #tpu.memory_space<vmem>>, vector<16xi32>,
        %gather3A_364 = tpu.vector_load_idx %arg10[%get3A_359] : memref<10000xf32, #tpu.memory_space<vmem>>[vector<16xi32>], vector<16xf32>,
        %gather3A_365 = tpu.vector_load_idx %arg11[%get3A_363] : memref<10000xf32, #tpu.memory_space<vmem>>[vector<16xi32>], vector<16xf32>,
        %add3A_366 = arith.addf %gather3A_364, %gather3A_365 : vector<16xf32>
        %mul3A_367 = arith.constant 0.00999999977 : f32
        %mul3A_368 = vector.broadcast %mul3A_367 : f32 to vector<16xf32>
        %mul3A_369 = arith.mulf %mul3A_368, %add3A_366 : vector<16xf32>
        %max3A_370 = arith.maximumf %add3A_366, %mul3A_369 : vector<16xf32>
        %mul3A_371 = arith.constant 16 : i32
        %mul3A_372 = arith.muli %add3A_355, %mul3A_371 : i32
        %swap3A_373 = arith.index_cast %mul3A_372 : i32 to index
        %swap3A_374 = tpu.vector_load %arg12[%swap3A_373] {strides = array<i32>} : memref<10000xf32, #tpu.memory_space<vmem>>, vector<16xf32>,
        tpu.vector_store %arg12[%swap3A_373], %max3A_370 {strides = array<i32>} : memref<10000xf32, #tpu.memory_space<vmem>>, vector<16xf32>,
        %scan3A_375 = arith.constant 0 : i32
        %scan3A_376 = arith.constant 3 : i32
        %scan3A_377 = arith.addi %scan3A_301, %scan3A_376 : i32
        %mul3A_378 = arith.constant 41 : i32
        %mul3A_379 = arith.muli %scan3A_171, %mul3A_378 : i32
        %add3A_380 = arith.addi %mul3A_379, %scan3A_377 : i32
        %mul3A_381 = arith.constant 16 : i32
        %mul3A_382 = arith.muli %add3A_380, %mul3A_381 : i32
        %get3A_383 = arith.index_cast %mul3A_382 : i32 to index
        %get3A_384 = tpu.vector_load %arg8[%get3A_383] {strides = array<i32>} : memref<10000xi32, #tpu.memory_space<vmem>>, vector<16xi32>,
        %mul3A_385 = arith.constant 16 : i32
        %mul3A_386 = arith.muli %add3A_380, %mul3A_385 : i32
        %get3A_387 = arith.index_cast %mul3A_386 : i32 to index
        %get3A_388 = tpu.vector_load %arg9[%get3A_387] {strides = array<i32>} : memref<10000xi32, #tpu.memory_space<vmem>>, vector<16xi32>,
        %gather3A_389 = tpu.vector_load_idx %arg10[%get3A_384] : memref<10000xf32, #tpu.memory_space<vmem>>[vector<16xi32>], vector<16xf32>,
        %gather3A_390 = tpu.vector_load_idx %arg11[%get3A_388] : memref<10000xf32, #tpu.memory_space<vmem>>[vector<16xi32>], vector<16xf32>,
        %add3A_391 = arith.addf %gather3A_389, %gather3A_390 : vector<16xf32>
        %mul3A_392 = arith.constant 0.00999999977 : f32
        %mul3A_393 = vector.broadcast %mul3A_392 : f32 to vector<16xf32>
        %mul3A_394 = arith.mulf %mul3A_393, %add3A_391 : vector<16xf32>
        %max3A_395 = arith.maximumf %add3A_391, %mul3A_394 : vector<16xf32>
        %mul3A_396 = arith.constant 16 : i32
        %mul3A_397 = arith.muli %add3A_380, %mul3A_396 : i32
        %swap3A_398 = arith.index_cast %mul3A_397 : i32 to index
        %swap3A_399 = tpu.vector_load %arg12[%swap3A_398] {strides = array<i32>} : memref<10000xf32, #tpu.memory_space<vmem>>, vector<16xf32>,
        tpu.vector_store %arg12[%swap3A_398], %max3A_395 {strides = array<i32>} : memref<10000xf32, #tpu.memory_space<vmem>>, vector<16xf32>,
        %scan3A_400 = arith.constant 0 : i32
        scf.yield %scan3A_400 : i32
      }
      %scan3A_278 = arith.constant 40 : i32
      %scan3A_279 = arith.addi %scan3A_273, %scan3A_278 : i32
      %mul3A_280 = arith.constant 41 : i32
      %mul3A_281 = arith.muli %scan3A_171, %mul3A_280 : i32
      %add3A_282 = arith.addi %mul3A_281, %scan3A_279 : i32
      %mul3A_283 = arith.constant 16 : i32
      %mul3A_284 = arith.muli %add3A_282, %mul3A_283 : i32
      %get3A = arith.index_cast %mul3A_284 : i32 to index
      %get3A_285 = tpu.vector_load %arg8[%get3A] {strides = array<i32>} : memref<10000xi32, #tpu.memory_space<vmem>>, vector<16xi32>,
      %mul3A_286 = arith.constant 16 : i32
      %mul3A_287 = arith.muli %add3A_282, %mul3A_286 : i32
      %get3A_288 = arith.index_cast %mul3A_287 : i32 to index
      %get3A_289 = tpu.vector_load %arg9[%get3A_288] {strides = array<i32>} : memref<10000xi32, #tpu.memory_space<vmem>>, vector<16xi32>,
      %gather3A = tpu.vector_load_idx %arg10[%get3A_285] : memref<10000xf32, #tpu.memory_space<vmem>>[vector<16xi32>], vector<16xf32>,
      %gather3A_290 = tpu.vector_load_idx %arg11[%get3A_289] : memref<10000xf32, #tpu.memory_space<vmem>>[vector<16xi32>], vector<16xf32>,
      %add3A_291 = arith.addf %gather3A, %gather3A_290 : vector<16xf32>
      %mul3A_292 = arith.constant 0.00999999977 : f32
      %mul3A_293 = vector.broadcast %mul3A_292 : f32 to vector<16xf32>
      %mul3A_294 = arith.mulf %mul3A_293, %add3A_291 : vector<16xf32>
      %max3A = arith.maximumf %add3A_291, %mul3A_294 : vector<16xf32>
      %mul3A_295 = arith.constant 16 : i32
      %mul3A_296 = arith.muli %add3A_282, %mul3A_295 : i32
      %swap3A = arith.index_cast %mul3A_296 : i32 to index
      %swap3A_297 = tpu.vector_load %arg12[%swap3A] {strides = array<i32>} : memref<10000xf32, #tpu.memory_space<vmem>>, vector<16xf32>,
      tpu.vector_store %arg12[%swap3A], %max3A {strides = array<i32>} : memref<10000xf32, #tpu.memory_space<vmem>>, vector<16xf32>,
      %scan3A_298 = arith.constant 0 : i32
      %scan3A_299 = arith.constant 41 : i32
      %scan3A_300 = arith.constant 0 : i32
      scf.yield %scan3A_300 : i32
    }
    %scan3A_98 = arith.constant 15 : i32
    %scan3A_99 = arith.constant 0 : i32
    %scan3A_100 = arith.constant 615 : i32
    %scan3A_101 = arith.constant 10 : i32
    %scan3A_102 = arith.addi %scan3A_100, %scan3A_101 : i32
    %scan3A_103 = arith.constant 2 : i32
    %scan3A_104 = scf.for %scan3A_171 = %scan3A_100 to %scan3A_102 step %scan3A_103 iter_args(%scan3A_172 = %scan3A_99) -> (i32)  : i32 {
      %mul3A_173 = arith.constant 16 : i32
      %mul3A_174 = arith.muli %scan3A_171, %mul3A_173 : i32
      %get3A = arith.index_cast %mul3A_174 : i32 to index
      %get3A_175 = tpu.vector_load %arg8[%get3A] {strides = array<i32>} : memref<10000xi32, #tpu.memory_space<vmem>>, vector<16xi32>,
      %mul3A_176 = arith.constant 16 : i32
      %mul3A_177 = arith.muli %scan3A_171, %mul3A_176 : i32
      %get3A_178 = arith.index_cast %mul3A_177 : i32 to index
      %get3A_179 = tpu.vector_load %arg9[%get3A_178] {strides = array<i32>} : memref<10000xi32, #tpu.memory_space<vmem>>, vector<16xi32>,
      %gather3A = tpu.vector_load_idx %arg10[%get3A_175] : memref<10000xf32, #tpu.memory_space<vmem>>[vector<16xi32>], vector<16xf32>,
      %gather3A_180 = tpu.vector_load_idx %arg11[%get3A_179] : memref<10000xf32, #tpu.memory_space<vmem>>[vector<16xi32>], vector<16xf32>,
      %add3A_181 = arith.addf %gather3A, %gather3A_180 : vector<16xf32>
      %mul3A_182 = arith.constant 0.00999999977 : f32
      %mul3A_183 = vector.broadcast %mul3A_182 : f32 to vector<16xf32>
      %mul3A_184 = arith.mulf %mul3A_183, %add3A_181 : vector<16xf32>
      %max3A = arith.maximumf %add3A_181, %mul3A_184 : vector<16xf32>
      %mul3A_185 = arith.constant 16 : i32
      %mul3A_186 = arith.muli %scan3A_171, %mul3A_185 : i32
      %swap3A = arith.index_cast %mul3A_186 : i32 to index
      %swap3A_187 = tpu.vector_load %arg12[%swap3A] {strides = array<i32>} : memref<10000xf32, #tpu.memory_space<vmem>>, vector<16xf32>,
      tpu.vector_store %arg12[%swap3A], %max3A {strides = array<i32>} : memref<10000xf32, #tpu.memory_space<vmem>>, vector<16xf32>,
      %scan3A_188 = arith.constant 0 : i32
      %scan3A_189 = arith.constant 1 : i32
      %scan3A_190 = arith.addi %scan3A_171, %scan3A_189 : i32
      %mul3A_191 = arith.constant 16 : i32
      %mul3A_192 = arith.muli %scan3A_190, %mul3A_191 : i32
      %get3A_193 = arith.index_cast %mul3A_192 : i32 to index
      %get3A_194 = tpu.vector_load %arg8[%get3A_193] {strides = array<i32>} : memref<10000xi32, #tpu.memory_space<vmem>>, vector<16xi32>,
      %mul3A_195 = arith.constant 16 : i32
      %mul3A_196 = arith.muli %scan3A_190, %mul3A_195 : i32
      %get3A_197 = arith.index_cast %mul3A_196 : i32 to index
      %get3A_198 = tpu.vector_load %arg9[%get3A_197] {strides = array<i32>} : memref<10000xi32, #tpu.memory_space<vmem>>, vector<16xi32>,
      %gather3A_199 = tpu.vector_load_idx %arg10[%get3A_194] : memref<10000xf32, #tpu.memory_space<vmem>>[vector<16xi32>], vector<16xf32>,
      %gather3A_200 = tpu.vector_load_idx %arg11[%get3A_198] : memref<10000xf32, #tpu.memory_space<vmem>>[vector<16xi32>], vector<16xf32>,
      %add3A_201 = arith.addf %gather3A_199, %gather3A_200 : vector<16xf32>
      %mul3A_202 = arith.constant 0.00999999977 : f32
      %mul3A_203 = vector.broadcast %mul3A_202 : f32 to vector<16xf32>
      %mul3A_204 = arith.mulf %mul3A_203, %add3A_201 : vector<16xf32>
      %max3A_205 = arith.maximumf %add3A_201, %mul3A_204 : vector<16xf32>
      %mul3A_206 = arith.constant 16 : i32
      %mul3A_207 = arith.muli %scan3A_190, %mul3A_206 : i32
      %swap3A_208 = arith.index_cast %mul3A_207 : i32 to index
      %swap3A_209 = tpu.vector_load %arg12[%swap3A_208] {strides = array<i32>} : memref<10000xf32, #tpu.memory_space<vmem>>, vector<16xf32>,
      tpu.vector_store %arg12[%swap3A_208], %max3A_205 {strides = array<i32>} : memref<10000xf32, #tpu.memory_space<vmem>>, vector<16xf32>,
      %scan3A_210 = arith.constant 0 : i32
      scf.yield %scan3A_210 : i32
    }
    %scan3A_105 = arith.constant 10 : i32
    "tpu.region"() ({
      %run_scoped3A_171 = tpu.sem_alloc : memref<!tpu.dma_semaphore, #tpu.memory_space<semaphore_mem>>
      %dma_start3A_172 = tpu.memref_slice %arg7[%mul3A_2] : memref<320000xf32, #tpu.memory_space<hbm>> -> memref<10000xf32, #tpu.memory_space<hbm>>
      %dma_start3A_173 = tpu.memref_slice %arg7[%mul3A_2] : memref<320000xf32, #tpu.memory_space<hbm>> -> memref<10000xf32, #tpu.memory_space<hbm>>
      tpu.enqueue_dma source(%arg12 : memref<10000xf32, #tpu.memory_space<vmem>>) target(%dma_start3A_173 : memref<10000xf32, #tpu.memory_space<hbm>>) target_semaphore(%run_scoped3A_171 : memref<!tpu.dma_semaphore, #tpu.memory_space<semaphore_mem>>)
      %dma_wait3A_174 = tpu.memref_slice %arg7[%mul3A_2] : memref<320000xf32, #tpu.memory_space<hbm>> -> memref<10000xf32, #tpu.memory_space<hbm>>
      %dma_wait3A_175 = tpu.memref_slice %arg7[%mul3A_2] : memref<320000xf32, #tpu.memory_space<hbm>> -> memref<10000xf32, #tpu.memory_space<hbm>>
      tpu.wait_dma2 semaphore(%run_scoped3A_171 : memref<!tpu.dma_semaphore, #tpu.memory_space<semaphore_mem>>) src(%arg12 : memref<10000xf32, #tpu.memory_space<vmem>>) dst(%dma_wait3A_175 : memref<10000xf32, #tpu.memory_space<hbm>>)
      tpu.yield
    }) : () -> ()
    %dma_wait3A_106 = arith.constant 0 : i32
    %dma_wait3A_107 = arith.constant 0 : i32
    %dma_wait3A_108 = tpu.memref_slice %arg6[%dma_wait3A_106, %dma_wait3A_107] : memref<320000x128xf32, #tpu.memory_space<hbm>> -> memref<200x128xf32, #tpu.memory_space<hbm>>
    %dma_wait3A_109 = arith.constant 0 : i32
    %dma_wait3A_110 = arith.constant 0 : i32
    %dma_wait3A_111 = tpu.memref_slice %arg6[%dma_wait3A_109, %dma_wait3A_110] : memref<320000x128xf32, #tpu.memory_space<hbm>> -> memref<200x128xf32, #tpu.memory_space<hbm>>
    tpu.wait_dma2 semaphore(%arg18 : memref<!tpu.dma_semaphore, #tpu.memory_space<semaphore_mem>>) src(%dma_wait3A_111 : memref<200x128xf32, #tpu.memory_space<hbm>>) dst(%arg15 : memref<200x128xf32, #tpu.memory_space<vmem>>)
    %add3A_112 = arith.constant 9400 : i32
    %add3A_113 = arith.addi %mul3A_2, %add3A_112 : i32
    %dma_start3A_114 = arith.constant 0 : i32
    %dma_start3A_115 = tpu.memref_slice %arg6[%add3A_113, %dma_start3A_114] : memref<320000x128xf32, #tpu.memory_space<hbm>> -> memref<200x128xf32, #tpu.memory_space<hbm>>
    %dma_start3A_116 = arith.constant 0 : i32
    %dma_start3A_117 = tpu.memref_slice %arg6[%add3A_113, %dma_start3A_116] : memref<320000x128xf32, #tpu.memory_space<hbm>> -> memref<200x128xf32, #tpu.memory_space<hbm>>
    tpu.enqueue_dma source(%arg15 : memref<200x128xf32, #tpu.memory_space<vmem>>) target(%dma_start3A_117 : memref<200x128xf32, #tpu.memory_space<hbm>>) target_semaphore(%arg21 : memref<!tpu.dma_semaphore, #tpu.memory_space<semaphore_mem>>)
    %dma_wait3A_118 = arith.constant 0 : i32
    %dma_wait3A_119 = arith.constant 0 : i32
    %dma_wait3A_120 = tpu.memref_slice %arg6[%dma_wait3A_118, %dma_wait3A_119] : memref<320000x128xf32, #tpu.memory_space<hbm>> -> memref<200x128xf32, #tpu.memory_space<hbm>>
    %dma_wait3A_121 = arith.constant 0 : i32
    %dma_wait3A_122 = arith.constant 0 : i32
    %dma_wait3A_123 = tpu.memref_slice %arg6[%dma_wait3A_121, %dma_wait3A_122] : memref<320000x128xf32, #tpu.memory_space<hbm>> -> memref<200x128xf32, #tpu.memory_space<hbm>>
    tpu.wait_dma2 semaphore(%arg20 : memref<!tpu.dma_semaphore, #tpu.memory_space<semaphore_mem>>) src(%arg14 : memref<200x128xf32, #tpu.memory_space<vmem>>) dst(%dma_wait3A_123 : memref<200x128xf32, #tpu.memory_space<hbm>>)
    %dma_start3A_124 = arith.constant 9800 : i32
    %dma_start3A_125 = tpu.memref_slice %arg8[%dma_start3A_124] : memref<10000xi32, #tpu.memory_space<vmem>> -> memref<200xi32, #tpu.memory_space<vmem>>
    %dma_start3A_126 = arith.constant 0 : i32
    %dma_start3A_127 = arith.constant 0 : i32
    %dma_start3A_128 = tpu.memref_slice %arg2[%dma_start3A_126, %dma_start3A_127] : memref<10000x128xf32, #tpu.memory_space<hbm>> -> memref<10000x128xf32, #tpu.memory_space<hbm>>
    tpu.enqueue_indirect_dma source(%dma_start3A_128 : memref<10000x128xf32, #tpu.memory_space<hbm>>) target(%arg14 : memref<200x128xf32, #tpu.memory_space<vmem>>) offsets(%dma_start3A_125 : memref<200xi32, #tpu.memory_space<vmem>>) semaphore(%arg17 : memref<!tpu.dma_semaphore, #tpu.memory_space<semaphore_mem>>)
    %dma_wait3A_129 = arith.constant 0 : i32
    %dma_wait3A_130 = arith.constant 0 : i32
    %dma_wait3A_131 = tpu.memref_slice %arg6[%dma_wait3A_129, %dma_wait3A_130] : memref<320000x128xf32, #tpu.memory_space<hbm>> -> memref<200x128xf32, #tpu.memory_space<hbm>>
    %dma_wait3A_132 = arith.constant 0 : i32
    %dma_wait3A_133 = arith.constant 0 : i32
    %dma_wait3A_134 = tpu.memref_slice %arg6[%dma_wait3A_132, %dma_wait3A_133] : memref<320000x128xf32, #tpu.memory_space<hbm>> -> memref<200x128xf32, #tpu.memory_space<hbm>>
    tpu.wait_dma2 semaphore(%arg16 : memref<!tpu.dma_semaphore, #tpu.memory_space<semaphore_mem>>) src(%dma_wait3A_134 : memref<200x128xf32, #tpu.memory_space<hbm>>) dst(%arg13 : memref<200x128xf32, #tpu.memory_space<vmem>>)
    %add3A_135 = arith.constant 9600 : i32
    %add3A_136 = arith.addi %mul3A_2, %add3A_135 : i32
    %dma_start3A_137 = arith.constant 0 : i32
    %dma_start3A_138 = tpu.memref_slice %arg6[%add3A_136, %dma_start3A_137] : memref<320000x128xf32, #tpu.memory_space<hbm>> -> memref<200x128xf32, #tpu.memory_space<hbm>>
    %dma_start3A_139 = arith.constant 0 : i32
    %dma_start3A_140 = tpu.memref_slice %arg6[%add3A_136, %dma_start3A_139] : memref<320000x128xf32, #tpu.memory_space<hbm>> -> memref<200x128xf32, #tpu.memory_space<hbm>>
    tpu.enqueue_dma source(%arg13 : memref<200x128xf32, #tpu.memory_space<vmem>>) target(%dma_start3A_140 : memref<200x128xf32, #tpu.memory_space<hbm>>) target_semaphore(%arg19 : memref<!tpu.dma_semaphore, #tpu.memory_space<semaphore_mem>>)
    %dma_wait3A_141 = arith.constant 0 : i32
    %dma_wait3A_142 = arith.constant 0 : i32
    %dma_wait3A_143 = tpu.memref_slice %arg6[%dma_wait3A_141, %dma_wait3A_142] : memref<320000x128xf32, #tpu.memory_space<hbm>> -> memref<200x128xf32, #tpu.memory_space<hbm>>
    %dma_wait3A_144 = arith.constant 0 : i32
    %dma_wait3A_145 = arith.constant 0 : i32
    %dma_wait3A_146 = tpu.memref_slice %arg6[%dma_wait3A_144, %dma_wait3A_145] : memref<320000x128xf32, #tpu.memory_space<hbm>> -> memref<200x128xf32, #tpu.memory_space<hbm>>
    tpu.wait_dma2 semaphore(%arg17 : memref<!tpu.dma_semaphore, #tpu.memory_space<semaphore_mem>>) src(%dma_wait3A_146 : memref<200x128xf32, #tpu.memory_space<hbm>>) dst(%arg14 : memref<200x128xf32, #tpu.memory_space<vmem>>)
    %add3A_147 = arith.constant 9800 : i32
    %add3A_148 = arith.addi %mul3A_2, %add3A_147 : i32
    %dma_start3A_149 = arith.constant 0 : i32
    %dma_start3A_150 = tpu.memref_slice %arg6[%add3A_148, %dma_start3A_149] : memref<320000x128xf32, #tpu.memory_space<hbm>> -> memref<200x128xf32, #tpu.memory_space<hbm>>
    %dma_start3A_151 = arith.constant 0 : i32
    %dma_start3A_152 = tpu.memref_slice %arg6[%add3A_148, %dma_start3A_151] : memref<320000x128xf32, #tpu.memory_space<hbm>> -> memref<200x128xf32, #tpu.memory_space<hbm>>
    tpu.enqueue_dma source(%arg14 : memref<200x128xf32, #tpu.memory_space<vmem>>) target(%dma_start3A_152 : memref<200x128xf32, #tpu.memory_space<hbm>>) target_semaphore(%arg20 : memref<!tpu.dma_semaphore, #tpu.memory_space<semaphore_mem>>)
    %dma_wait3A_153 = arith.constant 0 : i32
    %dma_wait3A_154 = arith.constant 0 : i32
    %dma_wait3A_155 = tpu.memref_slice %arg6[%dma_wait3A_153, %dma_wait3A_154] : memref<320000x128xf32, #tpu.memory_space<hbm>> -> memref<200x128xf32, #tpu.memory_space<hbm>>
    %dma_wait3A_156 = arith.constant 0 : i32
    %dma_wait3A_157 = arith.constant 0 : i32
    %dma_wait3A_158 = tpu.memref_slice %arg6[%dma_wait3A_156, %dma_wait3A_157] : memref<320000x128xf32, #tpu.memory_space<hbm>> -> memref<200x128xf32, #tpu.memory_space<hbm>>
    tpu.wait_dma2 semaphore(%arg19 : memref<!tpu.dma_semaphore, #tpu.memory_space<semaphore_mem>>) src(%arg13 : memref<200x128xf32, #tpu.memory_space<vmem>>) dst(%dma_wait3A_158 : memref<200x128xf32, #tpu.memory_space<hbm>>)
    %dma_wait3A_159 = arith.constant 0 : i32
    %dma_wait3A_160 = arith.constant 0 : i32
    %dma_wait3A_161 = tpu.memref_slice %arg6[%dma_wait3A_159, %dma_wait3A_160] : memref<320000x128xf32, #tpu.memory_space<hbm>> -> memref<200x128xf32, #tpu.memory_space<hbm>>
    %dma_wait3A_162 = arith.constant 0 : i32
    %dma_wait3A_163 = arith.constant 0 : i32
    %dma_wait3A_164 = tpu.memref_slice %arg6[%dma_wait3A_162, %dma_wait3A_163] : memref<320000x128xf32, #tpu.memory_space<hbm>> -> memref<200x128xf32, #tpu.memory_space<hbm>>
    tpu.wait_dma2 semaphore(%arg20 : memref<!tpu.dma_semaphore, #tpu.memory_space<semaphore_mem>>) src(%arg14 : memref<200x128xf32, #tpu.memory_space<vmem>>) dst(%dma_wait3A_164 : memref<200x128xf32, #tpu.memory_space<hbm>>)
    %dma_wait3A_165 = arith.constant 0 : i32
    %dma_wait3A_166 = arith.constant 0 : i32
    %dma_wait3A_167 = tpu.memref_slice %arg6[%dma_wait3A_165, %dma_wait3A_166] : memref<320000x128xf32, #tpu.memory_space<hbm>> -> memref<200x128xf32, #tpu.memory_space<hbm>>
    %dma_wait3A_168 = arith.constant 0 : i32
    %dma_wait3A_169 = arith.constant 0 : i32
    %dma_wait3A_170 = tpu.memref_slice %arg6[%dma_wait3A_168, %dma_wait3A_169] : memref<320000x128xf32, #tpu.memory_space<hbm>> -> memref<200x128xf32, #tpu.memory_space<hbm>>
    tpu.wait_dma2 semaphore(%arg21 : memref<!tpu.dma_semaphore, #tpu.memory_space<semaphore_mem>>) src(%arg15 : memref<200x128xf32, #tpu.memory_space<vmem>>) dst(%dma_wait3A_170 : memref<200x128xf32, #tpu.memory_space<hbm>>)
    return
  }
}

module attributes {stable_mosaic.version = 14 : i64} {
  func.func @_tc_body(%arg0: memref<10000x128xf32, #tpu.memory_space<vmem>>, %arg1: memref<10000x128xf32, #tpu.memory_space<vmem>>, %arg2: memref<128x128xf32, #tpu.memory_space<vmem>>, %arg3: memref<1x128xf32, #tpu.memory_space<vmem>>, %arg4: memref<1x128xf32, #tpu.memory_space<vmem>>, %arg5: memref<1x128xf32, #tpu.memory_space<vmem>>, %arg6: memref<1x1xf32, #tpu.memory_space<vmem>>, %arg7: memref<10000x128xf32, #tpu.memory_space<vmem>>, %arg8: memref<1x10000xf32, #tpu.memory_space<vmem>>, %arg9: memref<1x10000xf32, #tpu.memory_space<vmem>>) attributes {dimension_semantics = [], scalar_prefetch = 0 : i64, scratch_operands = 0 : i64, tpu.core_type = #tpu.core_type<tc>} {
    %get3A = arith.constant 0 : index
    %get3A_0 = arith.constant 0 : index
    %get3A_1 = vector.load %arg0[%get3A, %get3A_0] : memref<10000x128xf32, #tpu.memory_space<vmem>>, vector<10000x128xf32>
    %get3A_2 = arith.constant 0 : index
    %get3A_3 = arith.constant 0 : index
    %get3A_4 = vector.load %arg2[%get3A_2, %get3A_3] : memref<128x128xf32, #tpu.memory_space<vmem>>, vector<128x128xf32>
    %dot_general3A = arith.constant dense<0.000000e+00> : vector<10000x128xf32>
    %dot_general3A_5 = tpu.matmul %get3A_1, %get3A_4, %dot_general3A {dimension_numbers = #tpu.dot_dimension_numbers<[1], [1], [0], [0], [0, 0, 1, 0], [], []>, transpose_lhs_hint = false} : vector<10000x128xf32>, vector<128x128xf32>, vector<10000x128xf32> -> vector<10000x128xf32>
    %get3A_6 = arith.constant 0 : index
    %get3A_7 = arith.constant 0 : index
    %get3A_8 = vector.load %arg3[%get3A_6, %get3A_7] : memref<1x128xf32, #tpu.memory_space<vmem>>, vector<1x128xf32>
    %add3A = vector.broadcast %get3A_8 : vector<1x128xf32> to vector<10000x128xf32>
    %add3A_9 = arith.addf %dot_general3A_5, %add3A : vector<10000x128xf32>
    %swap3A = arith.constant 0 : index
    %swap3A_10 = arith.constant 0 : index
    %swap3A_11 = vector.load %arg7[%swap3A, %swap3A_10] : memref<10000x128xf32, #tpu.memory_space<vmem>>, vector<10000x128xf32>
    tpu.vector_store %arg7[%swap3A, %swap3A_10], %add3A_9 {strides = array<i32>} : memref<10000x128xf32, #tpu.memory_space<vmem>>, vector<10000x128xf32>,
    %get3A_12 = arith.constant 0 : index
    %get3A_13 = arith.constant 0 : index
    %get3A_14 = vector.load %arg4[%get3A_12, %get3A_13] : memref<1x128xf32, #tpu.memory_space<vmem>>, vector<1x128xf32>
    %dot_general3A_15 = arith.constant dense<0.000000e+00> : vector<1x10000xf32>
    %dot_general3A_16 = tpu.matmul %get3A_14, %add3A_9, %dot_general3A_15 {dimension_numbers = #tpu.dot_dimension_numbers<[1], [1], [0], [0], [0, 0, 1, 0], [], []>, transpose_lhs_hint = false} : vector<1x128xf32>, vector<10000x128xf32>, vector<1x10000xf32> -> vector<1x10000xf32>
    %get3A_17 = arith.constant 0 : index
    %get3A_18 = arith.constant 0 : index
    %get3A_19 = vector.load %arg6[%get3A_17, %get3A_18] : memref<1x1xf32, #tpu.memory_space<vmem>>, vector<1x1xf32>
    %add3A_20 = vector.broadcast %get3A_19 : vector<1x1xf32> to vector<1x10000xf32>
    %add3A_21 = arith.addf %dot_general3A_16, %add3A_20 : vector<1x10000xf32>
    %swap3A_22 = arith.constant 0 : index
    %swap3A_23 = arith.constant 0 : index
    %swap3A_24 = vector.load %arg8[%swap3A_22, %swap3A_23] : memref<1x10000xf32, #tpu.memory_space<vmem>>, vector<1x10000xf32>
    tpu.vector_store %arg8[%swap3A_22, %swap3A_23], %add3A_21 {strides = array<i32>} : memref<1x10000xf32, #tpu.memory_space<vmem>>, vector<1x10000xf32>,
    %get3A_25 = arith.constant 0 : index
    %get3A_26 = arith.constant 0 : index
    %get3A_27 = vector.load %arg5[%get3A_25, %get3A_26] : memref<1x128xf32, #tpu.memory_space<vmem>>, vector<1x128xf32>
    %get3A_28 = arith.constant 0 : index
    %get3A_29 = arith.constant 0 : index
    %get3A_30 = vector.load %arg1[%get3A_28, %get3A_29] : memref<10000x128xf32, #tpu.memory_space<vmem>>, vector<10000x128xf32>
    %dot_general3A_31 = arith.constant dense<0.000000e+00> : vector<1x10000xf32>
    %dot_general3A_32 = tpu.matmul %get3A_27, %get3A_30, %dot_general3A_31 {dimension_numbers = #tpu.dot_dimension_numbers<[1], [1], [0], [0], [0, 0, 1, 0], [], []>, transpose_lhs_hint = false} : vector<1x128xf32>, vector<10000x128xf32>, vector<1x10000xf32> -> vector<1x10000xf32>
    %swap3A_33 = arith.constant 0 : index
    %swap3A_34 = arith.constant 0 : index
    %swap3A_35 = vector.load %arg9[%swap3A_33, %swap3A_34] : memref<1x10000xf32, #tpu.memory_space<vmem>>, vector<1x10000xf32>
    tpu.vector_store %arg9[%swap3A_33, %swap3A_34], %dot_general3A_32 {strides = array<i32>} : memref<1x10000xf32, #tpu.memory_space<vmem>>, vector<1x10000xf32>,
    return
  }
}

</mosaic_0001>

<sc_bundles>
// kernel: kernel.4.cloned.1.call-start
scs
__scs_entry_jumppad:
0x0: {  	(pc) =	sbr.rel $0x88, $3  }
0x1: {  	(tag) =	ssettag $0x0;
	lr =	simm.s32 $0x1  }
0x2: {  	[smem:$0x3F9A] =	sst lr;
	_ =	strace $0xD0000000  }
0x3: {  	_ = 	snop  }
0x4: {  	_ = 	snop  }
0x5: {  	_ = 	snop  }
0x6: {  	_ = 	snop  }
0x7: {  	_ = 	snop  }
__scs_overlays_trampoline_lowered:
0x8: {  	[smem:$0x3FA9] =	sst s0  }
0x9: {  	[smem:$0x3FAA] =	sst s1  }
0xa: {  	[smem:$0x3FAB] =	sst s2  }
0xb: {  	[smem:$0x3FAC] =	sst s3  }
0xc: {  	[smem:$0x3FAD] =	sst s4  }
0xd: {  	[smem:$0x3FAE] =	sst s5  }
0xe: {  	[smem:$0x3FAF] =	sst s6  }
0xf: {  	[smem:$0x3FB0] =	sst s7  }
0x10: {  	[smem:$0x3FB1] =	sst s8  }
0x11: {  	[smem:$0x3FB2] =	sst s9;
	s0 =	simm.s32 @!p0 $0x0  }
0x12: {  	s1 =	sld [smem:$0x3F98];
	s0 =	simm.s32 @p0 $0x1  }
0x13: {  	[smem:$0x3FB3] =	sst s0;
	s0 =	simm.s32 @!p1 $0x0  }
0x14: {  	s2 =	sld [smem:$0x3F97];
	s0 =	simm.s32 @p1 $0x1  }
0x15: {  	[smem:$0x3FB4] =	sst s0;
	s0 =	simm.s32 @!p2 $0x0  }
0x16: {  	s3 =	sld [smem:$0x3FDB];
	s0 =	simm.s32 @p2 $0x1  }
0x17: {  	s4 =	simm.s32 $0x1BF5;
	[smem:$0x3FB6] =	sst s0  }
0x18: {  	s0 =	sld [smem:$0x3F99];
	_ =	swait.ge [sflag:s4], $0x0  }
0x19: {  	s7 =	sld [smem:$0x3F9A]  }
0x1a: {  	s8 =	sadd.s32 $0xFFFFE003, lr  }
0x1b: {  	s9 =	sadd.s32 $0xFFFFFEF7, lr;
	s5 =	simm.s32 $0xFFFFFFFF;
	p2 =	slt.u32 s8, $0xFFFFF086  }
0x1c: {  	p1 =	slt.u32 s9, $0xF7A;
	s5 =	simm.s32 @!p2 $0x0  }
0x1d: {  	s5 =	simm.s32 @p1 $0x1;
	p0 =	seq.s32 s7, s2  }
0x1e: {  	s7 =	smul.u32 @!p0 $0xF7A, s2;
	p2 =	seq.s32 @!p0 s5, $0x0  }
0x1f: {  	s9 =	smul.u32 $0xF7A, s1;
	s8 =	simm.s32 @!p0 $0x1BF5;
	p2 =	por !p2, p0  }
0x20: {  	[sflag:s8] =	ssyncset.s32 @!p0 $0xFFFFF086;
	s6 =	sadd.s32 @!p0 s3, s7;
	s7 =	simm.s32 @!p0 $0x108  }
0x21: {  	s3 =	sadd.s32 s3, s9;
	s6 =	sadd.s32 @!p0 $0x88, s6;
	s7 =	simm.s32 @p2 $0x1082  }
0x22: {  	[simem:s7], [sflag:s8] =	dma.local @!p0 [hbm:s6], $0xF7A  }
0x23: {  	s9 =	sor.u32 $0xD0000000, s2;
	s6 =	simm.s32 $0x108;
	_ =	swait.ge @!p0 [sflag:s8], $0x0  }
0x24: {  	s3 =	sadd.s32 $0x88, s3;
	s6 =	simm.s32 @!p1 $0x1082;
	[sflag:s4] =	ssyncset.s32 $0xFFFFF086  }
0x25: {  	[simem:s6], [sflag:s4] =	dma.local [hbm:s3], $0xF7A  }
0x26: {  	[smem:$0x3F9A] =	sst s1;
	(tag) =	ssettag s2;
	_ =	strace s9  }
0x27: {  	s1 =	sld [smem:$0x3FAA]  }
0x28: {  	s2 =	sld [smem:$0x3FAB]  }
0x29: {  	s4 =	sld [smem:$0x3FAD]  }
0x2a: {  	p0 =	seq.s32 s5, $0x0;
	s5 =	sld [smem:$0x3FAE]  }
0x2b: {  	s6 =	sld [smem:$0x3FAF]  }
0x2c: {  	s7 =	sld [smem:$0x3FB0]  }
0x2d: {  	s3 =	simm.s32 $0x108;
	s8 =	sld [smem:$0x3FB1]  }
0x2e: {  	s3 =	simm.s32 @!p0 $0x1082;
	s9 =	sld [smem:$0x3FB2]  }
0x2f: {  	lr =	sadd.s32 s0, s3;
	s0 =	sld [smem:$0x3FA9]  }
0x30: {  	s3 =	sld [smem:$0x3FAC]  }
0x31: {  	[smem:$0x3FB5] =	sst s10  }
0x32: {  	s10 =	sld [smem:$0x3FB3];
	_ =	sdelay $0x3  }
0x33: {  	p0 =	seq.s32 s10, $0x1;
	s10 =	sld [smem:$0x3FB5];
	_ =	sdelay $0x3  }
0x34: {  	[smem:$0x3FB5] =	sst s10  }
0x35: {  	s10 =	sld [smem:$0x3FB4];
	_ =	sdelay $0x3  }
0x36: {  	p1 =	seq.s32 s10, $0x1;
	s10 =	sld [smem:$0x3FB5];
	_ =	sdelay $0x3  }
0x37: {  	[smem:$0x3FB5] =	sst s10  }
0x38: {  	s10 =	sld [smem:$0x3FB6]  }
0x39: {  	_ = 	snop;
	(pc) =	sbr.ind lr, $3  }
0x3a: {  	_ = 	snop  }
0x3b: {  	_ = 	snop  }
0x3c: {  	p2 =	seq.s32 s10, $0x1;
	s10 =	sld [smem:$0x3FB5]  }
0x3d: {  	_ =	shalt  }
0x3e: {  	_ =	shalt  }
0x3f: {  	_ =	shalt  }
0x40: {  	_ =	shalt  }
0x41: {  	_ =	shalt  }
0x42: {  	_ =	shalt  }
0x43: {  	_ =	shalt  }
0x44: {  	_ =	shalt  }
0x45: {  	_ =	shalt  }
0x46: {  	_ =	shalt  }
0x47: {  	_ =	shalt  }
0x48: {  	_ =	shalt  }
0x49: {  	_ =	shalt  }
0x4a: {  	_ =	shalt  }
0x4b: {  	_ =	shalt  }
0x4c: {  	_ =	shalt  }
0x4d: {  	_ =	shalt  }
0x4e: {  	_ =	shalt  }
0x4f: {  	_ =	shalt  }
0x50: {  	_ =	shalt  }
0x51: {  	_ =	shalt  }
0x52: {  	_ =	shalt  }
0x53: {  	_ =	shalt  }
0x54: {  	_ =	shalt  }
0x55: {  	_ =	shalt  }
0x56: {  	_ =	shalt  }
0x57: {  	_ =	shalt  }
0x58: {  	_ =	shalt  }
0x59: {  	_ =	shalt  }
0x5a: {  	_ =	shalt  }
0x5b: {  	_ =	shalt  }
0x5c: {  	_ =	shalt  }
0x5d: {  	_ =	shalt  }
0x5e: {  	_ =	shalt  }
0x5f: {  	_ =	shalt  }
0x60: {  	_ =	shalt  }
0x61: {  	_ =	shalt  }
0x62: {  	_ =	shalt  }
0x63: {  	_ =	shalt  }
0x64: {  	_ =	shalt  }
0x65: {  	_ =	shalt  }
0x66: {  	_ =	shalt  }
0x67: {  	_ =	shalt  }
0x68: {  	_ =	shalt  }
0x69: {  	_ =	shalt  }
0x6a: {  	_ =	shalt  }
0x6b: {  	_ =	shalt  }
0x6c: {  	_ =	shalt  }
0x6d: {  	_ =	shalt  }
0x6e: {  	_ =	shalt  }
0x6f: {  	_ =	shalt  }
0x70: {  	_ =	shalt  }
0x71: {  	_ =	shalt  }
0x72: {  	_ =	shalt  }
0x73: {  	_ =	shalt  }
0x74: {  	_ =	shalt  }
0x75: {  	_ =	shalt  }
0x76: {  	_ =	shalt  }
0x77: {  	_ =	shalt  }
0x78: {  	_ =	shalt  }
0x79: {  	_ =	shalt  }
0x7a: {  	_ =	shalt  }
0x7b: {  	_ =	shalt  }
0x7c: {  	_ =	shalt  }
0x7d: {  	_ =	shalt  }
0x7e: {  	_ =	shalt  }
0x7f: {  	_ =	shalt  }
0x80: {  	_ =	shalt  }
0x81: {  	_ =	shalt  }
0x82: {  	_ =	shalt  }
0x83: {  	_ =	shalt  }
0x84: {  	_ =	shalt  }
0x85: {  	_ =	shalt  }
0x86: {  	_ =	shalt  }
0x87: {  	_ =	shalt  }
.Lfunc_end0:
.L_simem_size_0:
called_computation_lowered:
.L_overlay_start_0:
0x88: {  	s2 =	sld [smem:$0x3FD9]  }
0x89: {  	s3 =	sld [smem:$0x3FFE];
	_ =	sdelay $0x1  }
0x8a: {  	s1 =	srdreg.scid  }
0x8b: {  	s0 =	sand.u32 $0x1, s1  }
0x8c: {  	s14 =	sshll.u32 s0, $0xA;
	s2 =	sadd.s32 s3, s2  }
0x8d: {  	s2 =	sadd.s32 s2, s14  }
0x8e: {  	[smem:$0x3FC1] =	sst s2  }
0x8f: {  	_ = 	snop  }
0x90: {  	s2 =	sld [smem:$0x3FD0];
	_ =	sdelay $0x2  }
0x91: {  	s15 =	simm.s32 $0xA;
	s4 =	simm.s32 $0x10  }
0x92: {  	[smem:s4], [sflag:s15] =	dma.local [hbm:s2], $0x1  }
0x93: {  	_ =	swait.eq [sflag:s15], $0x1  }
0x94: {  	[sflag:s15] =	ssyncset.done $0x0  }
0x95: {  	s16 =	sld [smem:$0x10];
	[sflag:s15] =	ssyncadd.s32 $0xFFFFFFFF  }
0x96: {  	s17 =	sld [smem:$0x11];
	(tm) =	ssettm $0x1  }
0x97: {  	s18 =	sld [smem:$0x3FFB];
	_ =	sdelay $0x3  }
0x98: {  	_ =	strace s18  }
0x99: {  	s4 =	sld [smem:$0x3FFC];
	_ =	sdelay $0x3  }
0x9a: {  	_ =	strace s4  }
0x9b: {  	s4 =	sld [smem:$0x3FFD];
	_ =	sdelay $0x3  }
0x9c: {  	_ =	strace s4  }
0x9d: {  	_ =	strace $0x8FFFFFFF  }
0x9e: {  	s19 =	sld [smem:$0x3FDB];
	_ =	sdelay $0x1  }
0x9f: {  	s5 =	simm.s32 $_scs_section_size  }
0xa0: {  	s6 =	simm.s32 $_size__tile_overlayer_lowered;
	s7 =	simm.s32 $_tile_overlayer_lowered  }
0xa1: {  	s22 =	simm.s32 $0x1BFF;
	s21 =	sshll.u32 s7, $0x1;
	s4 =	sadd.s32 s5, s19  }
0xa2: {  	s8 =	simm.s32 $0x0;
	s20 =	sshll.u32 s6, $0x1;
	s6 =	sadd.s32 s21, s4  }
0xa3: {  	[timem:s8], [sflag:s22] =	dma.local [hbm:s6], s20  }
0xa4: {  	_ =	swait.ge [sflag:s22], s20  }
0xa5: {  	s5 =	ssub.s32 $0x0, s20;
	[sflag:s22] =	ssyncset.done $0x0  }
0xa6: {  	[sflag:s22] =	ssyncadd.s32 s5;
	_ =	sdelay $0x1  }
0xa7: {  	s23 =	simm.s32 $0x1B8B  }
0xa8: {  	_ =	swait.ge [sflag:s23], $0x1  }
0xa9: {  	[sflag:s23] =	ssyncset.done $0x0  }
0xaa: {  	s25 =	simm.s32 $0x1B8E;
	s24 =	sld [smem:$0x3FFE];
	[sflag:s23] =	ssyncadd.s32 $0xFFFFFFFF  }
0xab: {  	s26 =	simm.s32 $execute0_lowered;
	[smem:$0x3FD2] =	sst s25  }
0xac: {  	s6 =	sshll.u32 s26, $0x1;
	_ =	strace $0x80000046;
	[dreg:$0x1] =	wrdreg $0xFFFFFFFF  }
0xad: {  	s28 =	simm.s32 $_size_execute0_lowered;
	s4 =	sadd.s32 s4, s6;
	[dreg:$0x0] =	wrdreg $0x0  }
0xae: {  	s6 =	sshll.u32 s28, $0x1;
	[dreg:$0x2] =	wrdreg s4  }
0xaf: {  	[dreg:$0x3] =	wrdreg s6  }
0xb0: {  	[dreg:$0x4] =	wrdreg $0xC0  }
0xb1: {  	_ =	task [dreg:s8], $0x5FFFF  }
0xb2: {  	[dreg:$0x1] =	wrdreg $0xFFFFFFFF  }
0xb3: {  	[dreg:$0x0] =	wrdreg $0x60  }
0xb4: {  	[dreg:$0x2] =	wrdreg s24  }
0xb5: {  	[dreg:$0x3] =	wrdreg s17  }
0xb6: {  	[dreg:$0x4] =	wrdreg s16  }
0xb7: {  	[dreg:$0x5] =	wrdreg $0x9  }
0xb8: {  	_ =	task.clear_ibuf [dreg:s8], $0x6FFFF;
	_ =	strace $0x90000046  }
0xb9: {  	s29 =	simm.s32 $0x9;
	_ =	strace $0x80000048  }
0xba: {  	_ =	swait.ge [sflag:s29], $0x1  }
0xbb: {  	[sflag:s29] =	ssyncadd.s32 $0xFFFFFFFF  }
0xbc: {  	_ =	strace $0x90000048  }
0xbd: {  	_ =	sfence  }
0xbe: {  	s30 =	sld [smem:$0x0];
	_ =	sdelay $0x2  }
0xbf: {  	s31 =	sshll.u32 s1, $0xD;
	s1 =	sshrl.u32 s1, $0x2  }
0xc0: {  	s3 =	sand.u32 $0x4000, s31;
	s1 =	sadd.s32 s1, s30  }
0xc1: {  	s0 =	sor.u32 s3, s0;
	s1 =	sshll.u32 s1, $0x11  }
0xc2: {  	s0 =	sor.u32 s1, s0  }
0xc3: {  	s0 =	sadd.s32 $0x8F2B, s0  }
0xc4: {  	[sflag:s0] =	ssyncadd.remote.s32 $0x1  }
0xc5: {  	_ =	sfence.sel $0xFFFF  }
0xc6: {  	[dreg:$0x0] =	wrdreg $0xFFFFFFFF;
	(pc) =	sbr.abs _section_cstart, $3  }
0xc7: {  	[dreg:$0x1] =	wrdreg $0xFFFFFFFF  }
0xc8: {  	_ =	task.clear_ibuf [dreg:s8], $0x2FFFF;
	_ =	strace $0x9FFFFFFF  }
0xc9: {  	(tm) =	ssettm $0x7FFFFFFF  }
tec
execute0_lowered:
.L_overlay_start_1:
0x0: {  	(tag) =	ssettag $0x1  }
0x1: {  	s0 =	rddreg [dreg:$0x0];
	s1 =	srdreg.scid  }
0x2: {  	s9 =	stileid.u32;
	s3 =	rddreg [dreg:$0x2];
	s4 =	simm.s32 $0x0  }
0x3: {  	s29 =	simm.s32 $0x4F00;
	s30 =	simm.s32 $0x7680;
	s31 =	simm.s32 $0x1  }
0x4: {  	s28 =	simm.s32 $0x3;
	s1 =	sand.u32 $0x1, s1;
	s2 =	sshll.u32 s9, $0x1  }
0x5: {  	[smem:$0x7FF] =	sst s4;
	s6 =	sadd.s32 $0x15600, s0;
	s9 =	sshrl.u32 s9, $0x2  }
0x6: {  	s7 =	sadd.s32 $0x3C800, s0;
	s2 =	sor.u32 s1, s2;
	s9 =	smul.u32 $0x13C00, s9  }
0x7: {  	s19 =	sadd.s32 $0x1A00, s0;
	_ =	strace $0x80000047;
	s5 =	smul.u32 $0x2710, s2  }
0x8: {  	[dreg:$0x4] =	wrdreg s7;
	s1 =	ssub.s32 $0x2, s1;
	s22 =	smul.u32 $0x138800, s2  }
0x9: {  	s10 =	sshll.u32 s2, $0x7;
	s20 =	sshrl.u32 s1, $0x1;
	s2 =	smul.u32 $0x27100, s2  }
0xa: {  	s10 =	sand.u32 $0x380, s10;
	s1 =	ssub.s32 s1, s20;
	s8 =	sshrl.u32 s5, $0x3  }
0xb: {  	s21 =	sor.u32 s9, s10;
	s9 =	sshrl.u32 s22, $0x3;
	s2 =	sadd.s32 s3, s2  }
0xc: {  	s12 =	sadd.s32 $0x190, s5;
	s13 =	sadd.s32 $0x258, s5;
	s18 =	smax.u32 s1, $0x1  }
0xd: {  	s22 =	simm.s32 $0xC8;
	s1 =	simm.s32 $0x2;
	s0 =	sadd.s32 s8, s0  }
0xe: {  	s10 =	sshrl.u32 s21, $0x3;
	s8 =	sadd.s32 $0x4F000, s21;
	[dreg:$0x7] =	wrdreg s2  }
0xf: {  	s23 =	sadd.s32 s3, s9;
	s21 =	simm.s32 $0x8;
	s10 =	sadd.s32 s19, s10  }
0x10: {  	s2 =	simm.s32 $0x5;
	s24 =	sadd.s32 $0xC80, s23;
	[dreg:$0x5] =	wrdreg s10  }
0x11: {  	s8 =	sshrl.u32 s8, $0x3;
	s0 =	sadd.s32 $0x3CE00, s0;
	[dreg:$0x8] =	wrdreg s24  }
0x12: {  	s25 =	sadd.s32 $0x24B80, s23;
	s26 =	sadd.s32 $0x25800, s23;
	[dreg:$0x9] =	wrdreg s0  }
0x13: {  	s17 =	sadd.s32 $0x26480, s23;
	s23 =	simm.s32 $0xC580;
	[dreg:$0xa] =	wrdreg s25  }
0x14: {  	s7 =	sadd.s32 s19, s8;
	[dreg:$0xb] =	wrdreg s26;
	s24 =	simm.s32 $0x12980  }
0x15: {  	s26 =	simm.s32 $0x18D80;
	s0 =	simm.s32 $0x4;
	s25 =	simm.s32 $0x7  }
0x16: {  	s8 =	simm.s32 $0x0;
	[dreg:$0x6] =	wrdreg s7;
	s7 =	simm.s32 $0x6  }
.LBB2_1:
0x17: {  	s9 =	rddreg [dreg:$0x5];
	s10 =	simm.s32 $0x80;
	s11 =	simm.s32 $0x400  }
0x18: {  	[tilespmem:s4], [sflag:$0x8] =	stream.strided.gather [hbm4b:s9+s10], $0x2780, s11, s10, $0x38;
	[tilespmem:$0x1F180] =	vst v63  }
0x19: {  	_ =	swait.ge [sflag:s21], $0x2780  }
0x1a: {  	[sflag:s21] =	ssyncset.done $0x0  }
0x1b: {  	[sflag:s21] =	ssyncadd.s32 $0xFFFFD880  }
0x1c: {  	[tilespmem:s23], [sflag:$0x1] =	stream.indirect.gather [hbm4b:s6+s22], $0x80, s4, s22, $0xb8;
	[tilespmem:$0x1F180] =	vst v63  }
0x1d: {  	_ = 	snop  }
0x1e: {  	[tilespmem:s24], [sflag:$0x2] =	stream.indirect.gather [hbm4b:s6+s22], $0x80, s22, s22, $0xb8;
	[tilespmem:$0x1F180] =	vst v63  }
0x1f: {  	s19 =	simm.s32 $0x190  }
0x20: {  	[tilespmem:s26], [sflag:$0x3] =	stream.indirect.gather [hbm4b:s6+s22], $0x80, s19, s22, $0xb8;
	[tilespmem:$0x1F180] =	vst v63  }
0x21: {  	s14 =	simm.s32 $0x2780;
	s20 =	rddreg [dreg:$0x6]  }
0x22: {  	[tilespmem:s14], [sflag:$0x7] =	stream.strided.gather [hbm4b:s20+s10], $0x2780, s11, s10, $0x38;
	[tilespmem:$0x1F180] =	vst v63  }
0x23: {  	s14 =	rddreg [dreg:$0x1]  }
0x24: {  	[tilespmem:s29], [sflag:$0x7] =	stream.linear.gather [hbm4b:s14+s4], $0x2780, $0x38;
	[tilespmem:$0x1F180] =	vst v63  }
0x25: {  	s15 =	rddreg [dreg:$0x4]  }
0x26: {  	[tilespmem:s30], [sflag:$0x7] =	stream.linear.gather [hbm4b:s15+s4], $0x2780, $0x38;
	[tilespmem:$0x1F180] =	vst v63  }
0x27: {  	_ =	swait.ge [sflag:s31], $0x6400  }
0x28: {  	[sflag:s31] =	ssyncset.done $0x0  }
0x29: {  	s16 =	rddreg [dreg:$0x7];
	[sflag:s31] =	ssyncadd.s32 $0xFFFF9C00  }
0x2a: {  	[hbm4b:s16+s4] =	stream.linear.scatter [tilespmem:s23], [sflag:$0x4], $0x6400, $0x38;
	[tilespmem:$0x1F180] =	vst v63  }
0x2b: {  	_ =	swait.ge [sflag:s1], $0x6400  }
0x2c: {  	[sflag:s1] =	ssyncset.done $0x0  }
0x2d: {  	s19 =	rddreg [dreg:$0x8];
	[sflag:s1] =	ssyncadd.s32 $0xFFFF9C00  }
0x2e: {  	[hbm4b:s19+s4] =	stream.linear.scatter [tilespmem:s24], [sflag:$0x5], $0x6400, $0x38;
	[tilespmem:$0x1F180] =	vst v63  }
0x2f: {  	_ =	swait.ge [sflag:s0], $0x6400  }
0x30: {  	[sflag:s0] =	ssyncset.done $0x0  }
0x31: {  	s20 =	simm.s32 $0x258;
	[sflag:s0] =	ssyncadd.s32 $0xFFFF9C00  }
0x32: {  	[tilespmem:s23], [sflag:$0x1] =	stream.indirect.gather [hbm4b:s6+s22], $0x80, s20, s22, $0xb8;
	[tilespmem:$0x1F180] =	vst v63  }
0x33: {  	_ =	swait.ge [sflag:s25], $0x2780  }
0x34: {  	[sflag:s25] =	ssyncset.done $0x0  }
0x35: {  	[sflag:s25] =	ssyncadd.s32 $0xFFFFD880  }
0x36: {  	_ =	swait.ge [sflag:s25], $0x2780  }
0x37: {  	[sflag:s25] =	ssyncset.done $0x0  }
0x38: {  	[sflag:s25] =	ssyncadd.s32 $0xFFFFD880  }
0x39: {  	_ =	swait.ge [sflag:s25], $0x2780  }
0x3a: {  	s14 =	simm.s32 $0x0;
	s15 =	simm.s32 $0x9E20;
	[sflag:s25] =	ssyncset.done $0x0  }
0x3b: {  	s16 =	simm.s32 $0x20;
	s20 =	simm.s32 $0x27A0;
	[sflag:s25] =	ssyncadd.s32 $0xFFFFD880  }
.LBB2_2:
0x3c: {  	s9 =	smul.u32 $0x258, s14;
	_ =	sdelay $0x1  }
0x3d: {  	_ =	swait.ge [sflag:s28], $0x6400;
	s10 =	sadd.s32 s9, s12  }
0x3e: {  	[sflag:s28] =	ssyncset.done $0x0;
	s10 =	sshll.u32 s10, $0x4  }
0x3f: {  	[sflag:s28] =	ssyncadd.s32 $0xFFFF9C00;
	s10 =	sadd.s32 s3, s10  }
0x40: {  	[hbm4b:s10+s4] =	stream.linear.scatter [tilespmem:s26], [sflag:$0x6], $0x6400, $0x38;
	[tilespmem:$0x1F180] =	vst v63  }
0x41: {  	_ =	swait.ge [sflag:s2], $0x6400  }
0x42: {  	[sflag:s2] =	ssyncset.done $0x0  }
0x43: {  	s10 =	sadd.s32 $0x320, s9;
	[sflag:s2] =	ssyncadd.s32 $0xFFFF9C00  }
0x44: {  	[tilespmem:s24], [sflag:$0x2] =	stream.indirect.gather [hbm4b:s6+s22], $0x80, s10, s22, $0xb8;
	[tilespmem:$0x1F180] =	vst v63  }
0x45: {  	s9 =	sadd.s32 s9, s13;
	_ =	swait.ge [sflag:s31], $0x6400  }
0x46: {  	s9 =	sshll.u32 s9, $0x4;
	[sflag:s31] =	ssyncset.done $0x0  }
0x47: {  	s19 =	smul.u32 $0x960, s14;
	s9 =	sadd.s32 s3, s9;
	[sflag:s31] =	ssyncadd.s32 $0xFFFF9C00  }
0x48: {  	[hbm4b:s9+s4] =	stream.linear.scatter [tilespmem:s23], [sflag:$0x4], $0x6400, $0x38;
	[tilespmem:$0x1F180] =	vst v63  }
0x49: {  	_ =	swait.ge [sflag:s7], $0x6400  }
0x4a: {  	s9 =	sshra.s32 s19, $0x2;
	[sflag:s7] =	ssyncset.done $0x0  }
0x4b: {  	s11 =	sadd.s32 $0x3E8, s9;
	[sflag:s7] =	ssyncadd.s32 $0xFFFF9C00  }
0x4c: {  	[tilespmem:s26], [sflag:$0x3] =	stream.indirect.gather [hbm4b:s6+s22], $0x80, s11, s22, $0xb8;
	[tilespmem:$0x1F180] =	vst v63  }
0x4d: {  	s10 =	sadd.s32 s5, s10;
	_ =	swait.ge [sflag:s1], $0x6400  }
0x4e: {  	s10 =	sshll.u32 s10, $0x4;
	[sflag:s1] =	ssyncset.done $0x0  }
0x4f: {  	s10 =	sadd.s32 s3, s10;
	[sflag:s1] =	ssyncadd.s32 $0xFFFF9C00  }
0x50: {  	[hbm4b:s10+s4] =	stream.linear.scatter [tilespmem:s24], [sflag:$0x5], $0x6400, $0x38;
	[tilespmem:$0x1F180] =	vst v63  }
0x51: {  	_ =	swait.ge [sflag:s0], $0x6400  }
0x52: {  	[sflag:s0] =	ssyncset.done $0x0  }
0x53: {  	s19 =	simm.s32 $0xFFFFFFFC;
	s9 =	sadd.s32 $0x4B0, s9;
	[sflag:s0] =	ssyncadd.s32 $0xFFFF9C00  }
0x54: {  	[tilespmem:s23], [sflag:$0x1] =	stream.indirect.gather [hbm4b:s6+s22], $0x80, s9, s22, $0xb8;
	[tilespmem:$0x1F180] =	vst v63  }
0x55: {  	s11 =	smov.u32 s15;
	s10 =	smov.u32 s20;
	s9 =	smov.u32 s16  }
.LBB2_3:
0x56: {  	v0 =	vld [tilespmem:s9+$0xFFFFFFE0]  }
0x57: {  	v1 =	vld [tilespmem:s10+$0xFFFFFFE0];
	_ =	sdelay $0x6  }
0x58: {  	v0 =	vld.idx.msk [tilespmem:v0+s29+$0x0], $0xffff  }
0x59: {  	v1 =	vld.idx.msk [tilespmem:v1+s30+$0x0], $0xffff;
	_ =	sdelay $0x4  }
0x5a: {  	v0 =	vadd.f32 v1, v0;
	_ =	sdelay $0x1  }
0x5b: {  	v1 =	vmul.f32 $9.999999770e-03, v0;
	_ =	sdelay $0x1  }
0x5c: {  	v0 =	vmax.f32 v0, v1  }
0x5d: {  	[tilespmem:s11+$0xFFFFFFE0] =	vst v0  }
0x5e: {  	v0 =	vld [tilespmem:s9+$0xFFFFFFF0]  }
0x5f: {  	v61 =	vld [tilespmem:s10+$0xFFFFFFF0];
	_ =	sdelay $0x6  }
0x60: {  	v0 =	vld.idx.msk [tilespmem:v0+s29+$0x0], $0xffff  }
0x61: {  	v1 =	vld.idx.msk [tilespmem:v61+s30+$0x0], $0xffff;
	_ =	sdelay $0x4  }
0x62: {  	v0 =	vadd.f32 v1, v0;
	_ =	sdelay $0x1  }
0x63: {  	v1 =	vmul.f32 $9.999999770e-03, v0;
	_ =	sdelay $0x1  }
0x64: {  	v0 =	vmax.f32 v0, v1  }
0x65: {  	[tilespmem:s11+$0xFFFFFFF0] =	vst v0  }
0x66: {  	v0 =	vld [tilespmem:s9+$0x0]  }
0x67: {  	v62 =	vld [tilespmem:s10+$0x0];
	_ =	sdelay $0x6  }
0x68: {  	v0 =	vld.idx.msk [tilespmem:v0+s29+$0x0], $0xffff  }
0x69: {  	v1 =	vld.idx.msk [tilespmem:v62+s30+$0x0], $0xffff;
	_ =	sdelay $0x4  }
0x6a: {  	v0 =	vadd.f32 v1, v0;
	_ =	sdelay $0x1  }
0x6b: {  	v1 =	vmul.f32 $9.999999770e-03, v0;
	_ =	sdelay $0x1  }
0x6c: {  	v0 =	vmax.f32 v0, v1  }
0x6d: {  	[tilespmem:s11+$0x0] =	vst v0  }
0x6e: {  	v0 =	vld [tilespmem:s9+$0x10]  }
0x6f: {  	v63 =	vld [tilespmem:s10+$0x10];
	_ =	sdelay $0x6  }
0x70: {  	v0 =	vld.idx.msk [tilespmem:v0+s29+$0x0], $0xffff  }
0x71: {  	v1 =	vld.idx.msk [tilespmem:v63+s30+$0x0], $0xffff;
	_ =	sdelay $0x3  }
0x72: {  	s19 =	sadd.s32 $0x4, s19  }
0x73: {  	p0 =	slt.u32 s19, $0x24;
	v0 =	vadd.f32 v1, v0  }
.Ltmp0:
0x74: {  	_ = 	snop;
	(pc) =	sbr.rel @p0 .LBB2_3-.Ltmp0, $3  }
0x75: {  	v1 =	vmul.f32 $9.999999770e-03, v0;
	_ =	sdelay $0x1  }
0x76: {  	v0 =	vmax.f32 v0, v1  }
0x77: {  	s9 =	sadd.s32 $0x40, s9;
	s10 =	sadd.s32 $0x40, s10;
	[tilespmem:s11+$0x10] =	vst v0;
	s11 =	sadd.s32 $0x40, s11  }
0x78: {  	s9 =	smul.u32 $0x290, s14;
	_ =	sdelay $0x1  }
0x79: {  	s9 =	sand.u32 $0x3FF0, s9  }
0x7a: {  	v0 =	vld [tilespmem:s9+$0x280]  }
0x7b: {  	v1 =	vld [tilespmem:s9+$0x2A00];
	_ =	sdelay $0x6  }
0x7c: {  	v0 =	vld.idx.msk [tilespmem:v0+s29+$0x0], $0xffff  }
0x7d: {  	v1 =	vld.idx.msk [tilespmem:v1+s30+$0x0], $0xffff;
	_ =	sdelay $0x3  }
0x7e: {  	s14 =	sadd.s32 $0x1, s14  }
0x7f: {  	p0 =	sne.s32 s14, $0xF;
	v0 =	vadd.f32 v1, v0  }
.Ltmp1:
0x80: {  	_ = 	snop;
	(pc) =	sbr.rel @p0 .LBB2_2-.Ltmp1, $3  }
0x81: {  	v1 =	vmul.f32 $9.999999770e-03, v0;
	_ =	sdelay $0x1  }
0x82: {  	v0 =	vmax.f32 v0, v1  }
0x83: {  	s16 =	sadd.s32 $0x290, s16;
	s20 =	sadd.s32 $0x290, s20;
	s15 =	sadd.s32 $0x290, s15;
	[tilespmem:s9+$0xA080] =	vst v0  }
0x84: {  	v0 =	vld [tilespmem:$0x2670]  }
0x85: {  	v1 =	vld [tilespmem:$0x4DF0];
	_ =	sdelay $0x6  }
0x86: {  	v0 =	vld.idx.msk [tilespmem:v0+s29+$0x0], $0xffff  }
0x87: {  	v1 =	vld.idx.msk [tilespmem:v1+s30+$0x0], $0xffff;
	_ =	sdelay $0x2  }
0x88: {  	v2 =	vld [tilespmem:$0x2680]  }
0x89: {  	v3 =	vld [tilespmem:$0x4E00]  }
0x8a: {  	v0 =	vadd.f32 v1, v0;
	_ =	sdelay $0x1  }
0x8b: {  	v1 =	vmul.f32 $9.999999770e-03, v0;
	_ =	sdelay $0x1  }
0x8c: {  	v0 =	vmax.f32 v0, v1  }
0x8d: {  	[tilespmem:$0xC470] =	vst v0  }
0x8e: {  	v0 =	vld.idx.msk [tilespmem:v2+s29+$0x0], $0xffff  }
0x8f: {  	v39 =	vld.idx.msk [tilespmem:v3+s30+$0x0], $0xffff;
	_ =	sdelay $0x2  }
0x90: {  	v40 =	vld [tilespmem:$0x2690]  }
0x91: {  	v41 =	vld [tilespmem:$0x4E10]  }
0x92: {  	v0 =	vadd.f32 v39, v0;
	_ =	sdelay $0x1  }
0x93: {  	v1 =	vmul.f32 $9.999999770e-03, v0;
	_ =	sdelay $0x1  }
0x94: {  	v0 =	vmax.f32 v0, v1  }
0x95: {  	[tilespmem:$0xC480] =	vst v0  }
0x96: {  	v0 =	vld.idx.msk [tilespmem:v40+s29+$0x0], $0xffff  }
0x97: {  	v42 =	vld.idx.msk [tilespmem:v41+s30+$0x0], $0xffff;
	_ =	sdelay $0x2  }
0x98: {  	v43 =	vld [tilespmem:$0x26A0]  }
0x99: {  	v44 =	vld [tilespmem:$0x4E20]  }
0x9a: {  	v0 =	vadd.f32 v42, v0;
	_ =	sdelay $0x1  }
0x9b: {  	v1 =	vmul.f32 $9.999999770e-03, v0;
	_ =	sdelay $0x1  }
0x9c: {  	v0 =	vmax.f32 v0, v1  }
0x9d: {  	[tilespmem:$0xC490] =	vst v0  }
0x9e: {  	v0 =	vld.idx.msk [tilespmem:v43+s29+$0x0], $0xffff  }
0x9f: {  	v45 =	vld.idx.msk [tilespmem:v44+s30+$0x0], $0xffff;
	_ =	sdelay $0x2  }
0xa0: {  	v46 =	vld [tilespmem:$0x26B0]  }
0xa1: {  	v47 =	vld [tilespmem:$0x4E30]  }
0xa2: {  	v0 =	vadd.f32 v45, v0;
	_ =	sdelay $0x1  }
0xa3: {  	v1 =	vmul.f32 $9.999999770e-03, v0;
	_ =	sdelay $0x1  }
0xa4: {  	v0 =	vmax.f32 v0, v1  }
0xa5: {  	[tilespmem:$0xC4A0] =	vst v0  }
0xa6: {  	v0 =	vld.idx.msk [tilespmem:v46+s29+$0x0], $0xffff  }
0xa7: {  	v48 =	vld.idx.msk [tilespmem:v47+s30+$0x0], $0xffff;
	_ =	sdelay $0x2  }
0xa8: {  	v49 =	vld [tilespmem:$0x26C0]  }
0xa9: {  	v50 =	vld [tilespmem:$0x4E40]  }
0xaa: {  	v0 =	vadd.f32 v48, v0;
	_ =	sdelay $0x1  }
0xab: {  	v1 =	vmul.f32 $9.999999770e-03, v0;
	_ =	sdelay $0x1  }
0xac: {  	v0 =	vmax.f32 v0, v1  }
0xad: {  	[tilespmem:$0xC4B0] =	vst v0  }
0xae: {  	v0 =	vld.idx.msk [tilespmem:v49+s29+$0x0], $0xffff  }
0xaf: {  	v51 =	vld.idx.msk [tilespmem:v50+s30+$0x0], $0xffff;
	_ =	sdelay $0x2  }
0xb0: {  	v52 =	vld [tilespmem:$0x26D0]  }
0xb1: {  	v53 =	vld [tilespmem:$0x4E50]  }
0xb2: {  	v0 =	vadd.f32 v51, v0;
	_ =	sdelay $0x1  }
0xb3: {  	v1 =	vmul.f32 $9.999999770e-03, v0;
	_ =	sdelay $0x1  }
0xb4: {  	v0 =	vmax.f32 v0, v1  }
0xb5: {  	[tilespmem:$0xC4C0] =	vst v0  }
0xb6: {  	v0 =	vld.idx.msk [tilespmem:v52+s29+$0x0], $0xffff  }
0xb7: {  	v54 =	vld.idx.msk [tilespmem:v53+s30+$0x0], $0xffff;
	_ =	sdelay $0x2  }
0xb8: {  	v55 =	vld [tilespmem:$0x26E0]  }
0xb9: {  	v56 =	vld [tilespmem:$0x4E60]  }
0xba: {  	v0 =	vadd.f32 v54, v0;
	_ =	sdelay $0x1  }
0xbb: {  	v1 =	vmul.f32 $9.999999770e-03, v0;
	_ =	sdelay $0x1  }
0xbc: {  	v0 =	vmax.f32 v0, v1  }
0xbd: {  	[tilespmem:$0xC4D0] =	vst v0  }
0xbe: {  	v0 =	vld.idx.msk [tilespmem:v55+s29+$0x0], $0xffff  }
0xbf: {  	v57 =	vld.idx.msk [tilespmem:v56+s30+$0x0], $0xffff;
	_ =	sdelay $0x2  }
0xc0: {  	v58 =	vld [tilespmem:$0x26F0]  }
0xc1: {  	v59 =	vld [tilespmem:$0x4E70]  }
0xc2: {  	v0 =	vadd.f32 v57, v0;
	_ =	sdelay $0x1  }
0xc3: {  	v1 =	vmul.f32 $9.999999770e-03, v0;
	_ =	sdelay $0x1  }
0xc4: {  	v0 =	vmax.f32 v0, v1  }
0xc5: {  	[tilespmem:$0xC4E0] =	vst v0  }
0xc6: {  	v0 =	vld.idx.msk [tilespmem:v58+s29+$0x0], $0xffff  }
0xc7: {  	v60 =	vld.idx.msk [tilespmem:v59+s30+$0x0], $0xffff;
	_ =	sdelay $0x2  }
0xc8: {  	v61 =	vld [tilespmem:$0x2700]  }
0xc9: {  	v62 =	vld [tilespmem:$0x4E80]  }
0xca: {  	v0 =	vadd.f32 v60, v0;
	_ =	sdelay $0x1  }
0xcb: {  	v1 =	vmul.f32 $9.999999770e-03, v0;
	_ =	sdelay $0x1  }
0xcc: {  	v0 =	vmax.f32 v0, v1  }
0xcd: {  	[tilespmem:$0xC4F0] =	vst v0  }
0xce: {  	v0 =	vld.idx.msk [tilespmem:v61+s29+$0x0], $0xffff  }
0xcf: {  	v63 =	vld.idx.msk [tilespmem:v62+s30+$0x0], $0xffff;
	_ =	sdelay $0x4  }
0xd0: {  	v0 =	vadd.f32 v63, v0;
	_ =	sdelay $0x1  }
0xd1: {  	v1 =	vmul.f32 $9.999999770e-03, v0;
	_ =	sdelay $0x1  }
0xd2: {  	v0 =	vmax.f32 v0, v1  }
0xd3: {  	s9 =	rddreg [dreg:$0x9];
	s10 =	simm.s32 $0x9E00;
	[tilespmem:$0xC500] =	vst v0  }
0xd4: {  	[hbm4b:s9+s4] =	stream.linear.scatter [tilespmem:s10], [sflag:$0x8], $0x2710, $0x38;
	[tilespmem:$0x1F180] =	vst v63  }
0xd5: {  	_ =	swait.ge [sflag:s21], $0x2710  }
0xd6: {  	[sflag:s21] =	ssyncset.done $0x0  }
0xd7: {  	[sflag:s21] =	ssyncadd.s32 $0xFFFFD8F0  }
0xd8: {  	_ =	swait.ge [sflag:s28], $0x6400  }
0xd9: {  	[sflag:s28] =	ssyncset.done $0x0  }
0xda: {  	s16 =	rddreg [dreg:$0xa];
	[sflag:s28] =	ssyncadd.s32 $0xFFFF9C00  }
0xdb: {  	[hbm4b:s16+s4] =	stream.linear.scatter [tilespmem:s26], [sflag:$0x6], $0x6400, $0x38;
	[tilespmem:$0x1F180] =	vst v63  }
0xdc: {  	_ =	swait.ge [sflag:s2], $0x6400  }
0xdd: {  	[sflag:s2] =	ssyncset.done $0x0  }
0xde: {  	s19 =	simm.s32 $0x2648;
	[sflag:s2] =	ssyncadd.s32 $0xFFFF9C00  }
0xdf: {  	[tilespmem:s24], [sflag:$0x2] =	stream.indirect.gather [hbm4b:s6+s22], $0x80, s19, s22, $0xb8;
	[tilespmem:$0x1F180] =	vst v63  }
0xe0: {  	_ =	swait.ge [sflag:s31], $0x6400  }
0xe1: {  	[sflag:s31] =	ssyncset.done $0x0  }
0xe2: {  	s20 =	rddreg [dreg:$0xb];
	[sflag:s31] =	ssyncadd.s32 $0xFFFF9C00  }
0xe3: {  	[hbm4b:s20+s4] =	stream.linear.scatter [tilespmem:s23], [sflag:$0x4], $0x6400, $0x38;
	[tilespmem:$0x1F180] =	vst v63  }
0xe4: {  	_ =	swait.ge [sflag:s1], $0x6400  }
0xe5: {  	[sflag:s1] =	ssyncset.done $0x0  }
0xe6: {  	[sflag:s1] =	ssyncadd.s32 $0xFFFF9C00  }
0xe7: {  	[hbm4b:s17+s4] =	stream.linear.scatter [tilespmem:s24], [sflag:$0x5], $0x6400, $0x38;
	[tilespmem:$0x1F180] =	vst v63  }
0xe8: {  	_ =	swait.ge [sflag:s0], $0x6400  }
0xe9: {  	[sflag:s0] =	ssyncset.done $0x0  }
0xea: {  	s8 =	sadd.s32 $0x1, s8;
	[sflag:s0] =	ssyncadd.s32 $0xFFFF9C00  }
0xeb: {  	p0 =	sne.s32 s8, s18;
	_ =	swait.ge [sflag:s2], $0x6400  }
.Ltmp2:
0xec: {  	[sflag:s2] =	ssyncset.done $0x0;
	(pc) =	sbr.rel @p0 .LBB2_1-.Ltmp2, $4  }
0xed: {  	[sflag:s2] =	ssyncadd.s32 $0xFFFF9C00  }
0xee: {  	_ =	swait.ge [sflag:s7], $0x6400  }
0xef: {  	[sflag:s7] =	ssyncset.done $0x0  }
0xf0: {  	[sflag:s7] =	ssyncadd.s32 $0xFFFF9C00  }
0xf1: {  	_ =	sfence.sel $0x180000  }
0xf2: {  	[bflag:$0x0] =	sbarrier.arrive $0xFFFF  }
0xf3: {  	_ =	strace $0x90000047  }
0xf4: {  	s0 =	stileid.u32;
	[bflag:$0x2] =	sbarrier.arrive $0xFFFF  }
0xf5: {  	p0 =	sne.s32 s0, $0x0;
	s0 =	rddreg [dreg:$0x3]  }
0xf6: {  	s0 =	sadd.s32 @!p0 $0x100000, s0  }
0xf7: {  	[sflag:s0] =	ssyncadd.tile.s32 @!p0 $0x1;
	_ =	shalt  }
.Lfunc_end2:
_tile_overlayer_lowered:
.L_overlay_start_2:
0xf8: {  	(tag) =	ssettag $0x2  }
0xf9: {  	s0 =	rddreg [dreg:$0x0];
	s2 =	stileid.u32  }
0xfa: {  	s1 =	rddreg [dreg:$0x1];
	p0 =	sne.s32 s2, $0x0  }
0xfb: {  	s3 =	rddreg [dreg:$0x2];
	[bflag:$0x3] =	sbarrier.arrive $0xFFFF;
	s2 =	simm.s32 @!p0 $0x1C08  }
0xfc: {  	[timem:s3], [sflag:s2] =	dma.local @!p0 [hbm:s0], s1  }
0xfd: {  	s0 =	simm.s32 @!p0 $0x8  }
0xfe: {  	_ =	swait.ge @!p0 [sflag:s0], s1  }
0xff: {  	s1 =	ssub.s32 @!p0 $0x0, s1;
	[sflag:s0] =	ssyncset.done @!p0 $0x0  }
0x100: {  	[sflag:s0] =	ssyncadd.s32 @!p0 s1  }
0x101: {  	[bflag:$0x3] =	sbarrier.arrive $0xFFFF  }
0x102: {  	_ =	shalt  }

</sc_bundles>
